<compile_context>
chip_gen: v7x
topology: tpu7x:2x2x1
jax: 0.10.2.dev20260603
libtpu: 0.0.44.dev20260713+nightly
codegen_flags: <defaults>
</compile_context>

<pallas_src>
import functools
import math

import jax
import jax.numpy as jnp
from jax import lax
from jax.experimental import pallas as pl
from jax.experimental.pallas import tpu as pltpu
from jax.experimental.pallas import tpu_sc as plsc

DIM = 128
SCALE = math.sqrt(float(DIM))

_NC = 2
_NS = 16
_NW = _NC * _NS
_NBUF = 6


@functools.lru_cache(maxsize=None)
def _make_kernel(batch, hist):
    b_per_w = batch // _NW
    assert batch % _NW == 0 and b_per_w % 8 == 0 and b_per_w <= 128
    n_chunks = hist
    assert n_chunks % 2 == 0 and n_chunks >= 6
    mesh = plsc.VectorSubcoreMesh(core_axis_name="c", subcore_axis_name="s")

    @functools.partial(
        pl.kernel,
        mesh=mesh,
        out_type=jax.ShapeDtypeStruct((hist, batch, DIM), jnp.float32),
        scratch_types=[
            pltpu.VMEM((n_chunks, b_per_w), jnp.int32),
            pltpu.VMEM((_NBUF, b_per_w, DIM), jnp.float32),
            [pltpu.SemaphoreType.DMA] * _NBUF,
            [pltpu.SemaphoreType.DMA] * _NBUF,
        ],
    )
    def body(idx_hbm, table_hbm, out_hbm, idx_v, rows_v, gsem, osem):
        wid = lax.axis_index("s") * _NC + lax.axis_index("c")
        b0 = wid * b_per_w
        pltpu.sync_copy(idx_hbm.at[wid], idx_v)

        def g_copy(j, b):
            return pltpu.make_async_copy(
                table_hbm.at[idx_v.at[j]], rows_v.at[b], gsem[b])

        def o_copy(j, b):
            return pltpu.make_async_copy(
                rows_v.at[b], out_hbm.at[j, pl.ds(b0, b_per_w)], osem[b])

        def scale(b):
            @plsc.parallel_loop(0, b_per_w, step=1, unroll=4)
            def _sb(i):
                for u in range(DIM // 16):
                    sl = pl.ds(u * 16, 16)
                    rows_v[b, i, sl] = rows_v[b, i, sl] * SCALE

        def step(j, b, refill, drain):
            g_copy(j, b).wait()
            o_copy(j, b).start()
            if refill:
                if drain:
                    o_copy(j - 1, (b - 1) % _NBUF).wait()
                g_copy(j + _NBUF - 1, (b - 1) % _NBUF).start()

        for k in range(_NBUF - 1):
            g_copy(k, k).start()
        step(0, 0, True, False)

        n_steady = n_chunks - _NBUF
        n_main = (n_steady // _NBUF) * _NBUF

        def loop_body(jp, c):
            j = 1 + _NBUF * jp
            for h in range(_NBUF):
                step(j + h, (1 + h) % _NBUF, True, True)
            return c

        lax.fori_loop(0, n_main // _NBUF, loop_body, 0)

        for j in range(1 + n_main, n_steady + 1):
            step(j, j % _NBUF, True, True)
        for j in range(n_steady + 1, n_chunks):
            step(j, j % _NBUF, False, False)
        for j in range(n_chunks - _NBUF, n_chunks):
            o_copy(j, j % _NBUF).wait()

    return body


def kernel(input, table):
    batch, hist = input.shape
    b_per_w = batch // _NW
    idx3 = input.T.reshape(hist, _NW, b_per_w).transpose(1, 0, 2)
    out_t = _make_kernel(batch, hist)(idx3, table)
    return out_t.transpose(1, 0, 2)

# --- scband reference (transcript-rebuilt; emitter-appended) ---
"""Pipeline reference for scband-embedding-layer-58926951301641 (READ-ONLY COPY).

The authoritative reference and input builder live on the scoring server;
editing this copy changes nothing except your own understanding.
"""

import jax, jax.numpy as jnp
import numpy as np
import math

VOCAB = 100000
DIM = 128
BATCH = 4096
HIST = 50

def setup_inputs(seed: int = 0) -> dict:
    key = jax.random.key(seed)
    k1, k2 = jax.random.split(key)
    indices = jax.random.randint(k1, (BATCH, HIST), 0, VOCAB, dtype=jnp.int32)
    table = jax.random.normal(k2, (VOCAB, DIM), dtype=jnp.float32)
    return {"input": indices, "table": table}

def reference(input, table):
    # EmbeddingLayer.forward: self.embeddings(input) * sqrt(dimentions)
    emb = jnp.take(table, input, axis=0)
    return emb * math.sqrt(DIM)

if __name__ == "__main__":
    import jax
    _d = setup_inputs()
    print(jax.jit(kernel)(*tuple(_d.values())))

</pallas_src>

<mosaic_0001>
#map = affine_map<(d0, d1) -> (0, 0, 0)>
#map1 = affine_map<(d0, d1) -> (0, 0)>
module attributes {stable_mosaic.version = 14 : i64} {
  func.func @body(%arg0: i32, %arg1: i32, %arg2: memref<32x50x128xi32, #tpu.memory_space<hbm>>, %arg3: memref<100000x128xf32, #tpu.memory_space<hbm>>, %arg4: memref<50x4096x128xf32, #tpu.memory_space<hbm>>, %arg5: memref<50x128xi32, #tpu.memory_space<vmem>>, %arg6: memref<6x128x128xf32, #tpu.memory_space<vmem>>, %arg7: memref<!tpu.dma_semaphore, #tpu.memory_space<semaphore_mem>>, %arg8: memref<!tpu.dma_semaphore, #tpu.memory_space<semaphore_mem>>, %arg9: memref<!tpu.dma_semaphore, #tpu.memory_space<semaphore_mem>>, %arg10: memref<!tpu.dma_semaphore, #tpu.memory_space<semaphore_mem>>, %arg11: memref<!tpu.dma_semaphore, #tpu.memory_space<semaphore_mem>>, %arg12: memref<!tpu.dma_semaphore, #tpu.memory_space<semaphore_mem>>, %arg13: memref<!tpu.dma_semaphore, #tpu.memory_space<semaphore_mem>>, %arg14: memref<!tpu.dma_semaphore, #tpu.memory_space<semaphore_mem>>, %arg15: memref<!tpu.dma_semaphore, #tpu.memory_space<semaphore_mem>>, %arg16: memref<!tpu.dma_semaphore, #tpu.memory_space<semaphore_mem>>, %arg17: memref<!tpu.dma_semaphore, #tpu.memory_space<semaphore_mem>>, %arg18: memref<!tpu.dma_semaphore, #tpu.memory_space<semaphore_mem>>) attributes {dimension_semantics = [#tpu.dimension_semantics<core_parallel>, #tpu.dimension_semantics<subcore_parallel>], iteration_bounds = array<i64: 2, 16>, scalar_prefetch = 0 : i64, scratch_operands = 14 : i64, tpu.core_type = #tpu.core_type<sc_vector_subcore>, window_params = [{transform_indices = #map}, {transform_indices = #map1}, {transform_indices = #map}]} {
    %mul3A = arith.constant 2 : i32
    %mul3A_0 = arith.muli %arg1, %mul3A : i32
    %add3A = arith.addi %mul3A_0, %arg0 : i32
    %mul3A_1 = arith.constant 128 : i32
    %mul3A_2 = arith.muli %add3A, %mul3A_1 : i32
    "tpu.region"() ({
      %run_scoped3A = tpu.sem_alloc : memref<!tpu.dma_semaphore, #tpu.memory_space<semaphore_mem>>
      %dma_start3A_454 = arith.constant 0 : i32
      %dma_start3A_455 = arith.constant 0 : i32
      %dma_start3A_456 = tpu.memref_slice %arg2[%add3A, %dma_start3A_454, %dma_start3A_455] : memref<32x50x128xi32, #tpu.memory_space<hbm>> -> memref<1x50x128xi32, #tpu.memory_space<hbm>>
      %dma_start3A_457 = tpu.memref_squeeze %dma_start3A_456 : memref<1x50x128xi32, #tpu.memory_space<hbm>> -> memref<50x128xi32, #tpu.memory_space<hbm>>
      %dma_start3A_458 = arith.constant 0 : i32
      %dma_start3A_459 = arith.constant 0 : i32
      %dma_start3A_460 = tpu.memref_slice %arg2[%add3A, %dma_start3A_458, %dma_start3A_459] : memref<32x50x128xi32, #tpu.memory_space<hbm>> -> memref<1x50x128xi32, #tpu.memory_space<hbm>>
      %dma_start3A_461 = tpu.memref_squeeze %dma_start3A_460 : memref<1x50x128xi32, #tpu.memory_space<hbm>> -> memref<50x128xi32, #tpu.memory_space<hbm>>
      tpu.enqueue_dma source(%dma_start3A_461 : memref<50x128xi32, #tpu.memory_space<hbm>>) target(%arg5 : memref<50x128xi32, #tpu.memory_space<vmem>>) target_semaphore(%run_scoped3A : memref<!tpu.dma_semaphore, #tpu.memory_space<semaphore_mem>>)
      %dma_wait3A_462 = arith.constant 0 : i32
      %dma_wait3A_463 = arith.constant 0 : i32
      %dma_wait3A_464 = tpu.memref_slice %arg2[%add3A, %dma_wait3A_462, %dma_wait3A_463] : memref<32x50x128xi32, #tpu.memory_space<hbm>> -> memref<1x50x128xi32, #tpu.memory_space<hbm>>
      %dma_wait3A_465 = tpu.memref_squeeze %dma_wait3A_464 : memref<1x50x128xi32, #tpu.memory_space<hbm>> -> memref<50x128xi32, #tpu.memory_space<hbm>>
      %dma_wait3A_466 = arith.constant 0 : i32
      %dma_wait3A_467 = arith.constant 0 : i32
      %dma_wait3A_468 = tpu.memref_slice %arg2[%add3A, %dma_wait3A_466, %dma_wait3A_467] : memref<32x50x128xi32, #tpu.memory_space<hbm>> -> memref<1x50x128xi32, #tpu.memory_space<hbm>>
      %dma_wait3A_469 = tpu.memref_squeeze %dma_wait3A_468 : memref<1x50x128xi32, #tpu.memory_space<hbm>> -> memref<50x128xi32, #tpu.memory_space<hbm>>
      tpu.wait_dma2 semaphore(%run_scoped3A : memref<!tpu.dma_semaphore, #tpu.memory_space<semaphore_mem>>) src(%dma_wait3A_469 : memref<50x128xi32, #tpu.memory_space<hbm>>) dst(%arg5 : memref<50x128xi32, #tpu.memory_space<vmem>>)
      tpu.yield
    }) : () -> ()
    %dma_start3A = arith.constant 0 : i32
    %dma_start3A_3 = arith.constant 0 : i32
    %dma_start3A_4 = arith.constant 0 : i32
    %dma_start3A_5 = arith.constant 0 : i32
    %dma_start3A_6 = tpu.memref_slice %arg6[%dma_start3A_3, %dma_start3A_4, %dma_start3A_5] : memref<6x128x128xf32, #tpu.memory_space<vmem>> -> memref<1x128x128xf32, #tpu.memory_space<vmem>>
    %dma_start3A_7 = tpu.memref_squeeze %dma_start3A_6 : memref<1x128x128xf32, #tpu.memory_space<vmem>> -> memref<128x128xf32, #tpu.memory_space<vmem>>
    %dma_start3A_8 = arith.constant 0 : i32
    %dma_start3A_9 = tpu.memref_slice %arg5[%dma_start3A, %dma_start3A_8] : memref<50x128xi32, #tpu.memory_space<vmem>> -> memref<1x128xi32, #tpu.memory_space<vmem>>
    %dma_start3A_10 = tpu.memref_squeeze %dma_start3A_9 : memref<1x128xi32, #tpu.memory_space<vmem>> -> memref<128xi32, #tpu.memory_space<vmem>>
    %dma_start3A_11 = arith.constant 0 : i32
    %dma_start3A_12 = arith.constant 0 : i32
    %dma_start3A_13 = tpu.memref_slice %arg3[%dma_start3A_11, %dma_start3A_12] : memref<100000x128xf32, #tpu.memory_space<hbm>> -> memref<100000x128xf32, #tpu.memory_space<hbm>>
    tpu.enqueue_indirect_dma source(%dma_start3A_13 : memref<100000x128xf32, #tpu.memory_space<hbm>>) target(%dma_start3A_7 : memref<128x128xf32, #tpu.memory_space<vmem>>) offsets(%dma_start3A_10 : memref<128xi32, #tpu.memory_space<vmem>>) semaphore(%arg7 : memref<!tpu.dma_semaphore, #tpu.memory_space<semaphore_mem>>)
    %dma_start3A_14 = arith.constant 1 : i32
    %dma_start3A_15 = arith.constant 1 : i32
    %dma_start3A_16 = arith.constant 0 : i32
    %dma_start3A_17 = arith.constant 0 : i32
    %dma_start3A_18 = tpu.memref_slice %arg6[%dma_start3A_15, %dma_start3A_16, %dma_start3A_17] : memref<6x128x128xf32, #tpu.memory_space<vmem>> -> memref<1x128x128xf32, #tpu.memory_space<vmem>>
    %dma_start3A_19 = tpu.memref_squeeze %dma_start3A_18 : memref<1x128x128xf32, #tpu.memory_space<vmem>> -> memref<128x128xf32, #tpu.memory_space<vmem>>
    %dma_start3A_20 = arith.constant 0 : i32
    %dma_start3A_21 = tpu.memref_slice %arg5[%dma_start3A_14, %dma_start3A_20] : memref<50x128xi32, #tpu.memory_space<vmem>> -> memref<1x128xi32, #tpu.memory_space<vmem>>
    %dma_start3A_22 = tpu.memref_squeeze %dma_start3A_21 : memref<1x128xi32, #tpu.memory_space<vmem>> -> memref<128xi32, #tpu.memory_space<vmem>>
    %dma_start3A_23 = arith.constant 0 : i32
    %dma_start3A_24 = arith.constant 0 : i32
    %dma_start3A_25 = tpu.memref_slice %arg3[%dma_start3A_23, %dma_start3A_24] : memref<100000x128xf32, #tpu.memory_space<hbm>> -> memref<100000x128xf32, #tpu.memory_space<hbm>>
    tpu.enqueue_indirect_dma source(%dma_start3A_25 : memref<100000x128xf32, #tpu.memory_space<hbm>>) target(%dma_start3A_19 : memref<128x128xf32, #tpu.memory_space<vmem>>) offsets(%dma_start3A_22 : memref<128xi32, #tpu.memory_space<vmem>>) semaphore(%arg8 : memref<!tpu.dma_semaphore, #tpu.memory_space<semaphore_mem>>)
    %dma_start3A_26 = arith.constant 2 : i32
    %dma_start3A_27 = arith.constant 2 : i32
    %dma_start3A_28 = arith.constant 0 : i32
    %dma_start3A_29 = arith.constant 0 : i32
    %dma_start3A_30 = tpu.memref_slice %arg6[%dma_start3A_27, %dma_start3A_28, %dma_start3A_29] : memref<6x128x128xf32, #tpu.memory_space<vmem>> -> memref<1x128x128xf32, #tpu.memory_space<vmem>>
    %dma_start3A_31 = tpu.memref_squeeze %dma_start3A_30 : memref<1x128x128xf32, #tpu.memory_space<vmem>> -> memref<128x128xf32, #tpu.memory_space<vmem>>
    %dma_start3A_32 = arith.constant 0 : i32
    %dma_start3A_33 = tpu.memref_slice %arg5[%dma_start3A_26, %dma_start3A_32] : memref<50x128xi32, #tpu.memory_space<vmem>> -> memref<1x128xi32, #tpu.memory_space<vmem>>
    %dma_start3A_34 = tpu.memref_squeeze %dma_start3A_33 : memref<1x128xi32, #tpu.memory_space<vmem>> -> memref<128xi32, #tpu.memory_space<vmem>>
    %dma_start3A_35 = arith.constant 0 : i32
    %dma_start3A_36 = arith.constant 0 : i32
    %dma_start3A_37 = tpu.memref_slice %arg3[%dma_start3A_35, %dma_start3A_36] : memref<100000x128xf32, #tpu.memory_space<hbm>> -> memref<100000x128xf32, #tpu.memory_space<hbm>>
    tpu.enqueue_indirect_dma source(%dma_start3A_37 : memref<100000x128xf32, #tpu.memory_space<hbm>>) target(%dma_start3A_31 : memref<128x128xf32, #tpu.memory_space<vmem>>) offsets(%dma_start3A_34 : memref<128xi32, #tpu.memory_space<vmem>>) semaphore(%arg9 : memref<!tpu.dma_semaphore, #tpu.memory_space<semaphore_mem>>)
    %dma_start3A_38 = arith.constant 3 : i32
    %dma_start3A_39 = arith.constant 3 : i32
    %dma_start3A_40 = arith.constant 0 : i32
    %dma_start3A_41 = arith.constant 0 : i32
    %dma_start3A_42 = tpu.memref_slice %arg6[%dma_start3A_39, %dma_start3A_40, %dma_start3A_41] : memref<6x128x128xf32, #tpu.memory_space<vmem>> -> memref<1x128x128xf32, #tpu.memory_space<vmem>>
    %dma_start3A_43 = tpu.memref_squeeze %dma_start3A_42 : memref<1x128x128xf32, #tpu.memory_space<vmem>> -> memref<128x128xf32, #tpu.memory_space<vmem>>
    %dma_start3A_44 = arith.constant 0 : i32
    %dma_start3A_45 = tpu.memref_slice %arg5[%dma_start3A_38, %dma_start3A_44] : memref<50x128xi32, #tpu.memory_space<vmem>> -> memref<1x128xi32, #tpu.memory_space<vmem>>
    %dma_start3A_46 = tpu.memref_squeeze %dma_start3A_45 : memref<1x128xi32, #tpu.memory_space<vmem>> -> memref<128xi32, #tpu.memory_space<vmem>>
    %dma_start3A_47 = arith.constant 0 : i32
    %dma_start3A_48 = arith.constant 0 : i32
    %dma_start3A_49 = tpu.memref_slice %arg3[%dma_start3A_47, %dma_start3A_48] : memref<100000x128xf32, #tpu.memory_space<hbm>> -> memref<100000x128xf32, #tpu.memory_space<hbm>>
    tpu.enqueue_indirect_dma source(%dma_start3A_49 : memref<100000x128xf32, #tpu.memory_space<hbm>>) target(%dma_start3A_43 : memref<128x128xf32, #tpu.memory_space<vmem>>) offsets(%dma_start3A_46 : memref<128xi32, #tpu.memory_space<vmem>>) semaphore(%arg10 : memref<!tpu.dma_semaphore, #tpu.memory_space<semaphore_mem>>)
    %dma_start3A_50 = arith.constant 4 : i32
    %dma_start3A_51 = arith.constant 4 : i32
    %dma_start3A_52 = arith.constant 0 : i32
    %dma_start3A_53 = arith.constant 0 : i32
    %dma_start3A_54 = tpu.memref_slice %arg6[%dma_start3A_51, %dma_start3A_52, %dma_start3A_53] : memref<6x128x128xf32, #tpu.memory_space<vmem>> -> memref<1x128x128xf32, #tpu.memory_space<vmem>>
    %dma_start3A_55 = tpu.memref_squeeze %dma_start3A_54 : memref<1x128x128xf32, #tpu.memory_space<vmem>> -> memref<128x128xf32, #tpu.memory_space<vmem>>
    %dma_start3A_56 = arith.constant 0 : i32
    %dma_start3A_57 = tpu.memref_slice %arg5[%dma_start3A_50, %dma_start3A_56] : memref<50x128xi32, #tpu.memory_space<vmem>> -> memref<1x128xi32, #tpu.memory_space<vmem>>
    %dma_start3A_58 = tpu.memref_squeeze %dma_start3A_57 : memref<1x128xi32, #tpu.memory_space<vmem>> -> memref<128xi32, #tpu.memory_space<vmem>>
    %dma_start3A_59 = arith.constant 0 : i32
    %dma_start3A_60 = arith.constant 0 : i32
    %dma_start3A_61 = tpu.memref_slice %arg3[%dma_start3A_59, %dma_start3A_60] : memref<100000x128xf32, #tpu.memory_space<hbm>> -> memref<100000x128xf32, #tpu.memory_space<hbm>>
    tpu.enqueue_indirect_dma source(%dma_start3A_61 : memref<100000x128xf32, #tpu.memory_space<hbm>>) target(%dma_start3A_55 : memref<128x128xf32, #tpu.memory_space<vmem>>) offsets(%dma_start3A_58 : memref<128xi32, #tpu.memory_space<vmem>>) semaphore(%arg11 : memref<!tpu.dma_semaphore, #tpu.memory_space<semaphore_mem>>)
    %dma_wait3A = arith.constant 0 : i32
    %dma_wait3A_62 = arith.constant 0 : i32
    %dma_wait3A_63 = arith.constant 0 : i32
    %dma_wait3A_64 = arith.constant 0 : i32
    %dma_wait3A_65 = tpu.memref_slice %arg6[%dma_wait3A_62, %dma_wait3A_63, %dma_wait3A_64] : memref<6x128x128xf32, #tpu.memory_space<vmem>> -> memref<1x128x128xf32, #tpu.memory_space<vmem>>
    %dma_wait3A_66 = tpu.memref_squeeze %dma_wait3A_65 : memref<1x128x128xf32, #tpu.memory_space<vmem>> -> memref<128x128xf32, #tpu.memory_space<vmem>>
    %dma_wait3A_67 = arith.constant 0 : i32
    %dma_wait3A_68 = tpu.memref_slice %arg5[%dma_wait3A, %dma_wait3A_67] : memref<50x128xi32, #tpu.memory_space<vmem>> -> memref<1x128xi32, #tpu.memory_space<vmem>>
    %dma_wait3A_69 = tpu.memref_squeeze %dma_wait3A_68 : memref<1x128xi32, #tpu.memory_space<vmem>> -> memref<128xi32, #tpu.memory_space<vmem>>
    %dma_wait3A_70 = arith.constant 0 : i32
    %dma_wait3A_71 = arith.constant 0 : i32
    %dma_wait3A_72 = tpu.memref_slice %arg3[%dma_wait3A_70, %dma_wait3A_71] : memref<100000x128xf32, #tpu.memory_space<hbm>> -> memref<100000x128xf32, #tpu.memory_space<hbm>>
    tpu.wait_indirect_dma semaphore(%arg7 : memref<!tpu.dma_semaphore, #tpu.memory_space<semaphore_mem>>) src(%dma_wait3A_72 : memref<100000x128xf32, #tpu.memory_space<hbm>>) dst(%dma_wait3A_66 : memref<128x128xf32, #tpu.memory_space<vmem>>)
    %dma_start3A_73 = arith.constant 0 : i32
    %dma_start3A_74 = arith.constant 0 : i32
    %dma_start3A_75 = arith.constant 0 : i32
    %dma_start3A_76 = arith.constant 0 : i32
    %dma_start3A_77 = tpu.memref_slice %arg6[%dma_start3A_73, %dma_start3A_75, %dma_start3A_76] : memref<6x128x128xf32, #tpu.memory_space<vmem>> -> memref<1x128x128xf32, #tpu.memory_space<vmem>>
    %dma_start3A_78 = tpu.memref_squeeze %dma_start3A_77 : memref<1x128x128xf32, #tpu.memory_space<vmem>> -> memref<128x128xf32, #tpu.memory_space<vmem>>
    %dma_start3A_79 = arith.constant 0 : i32
    %dma_start3A_80 = tpu.memref_slice %arg4[%dma_start3A_74, %mul3A_2, %dma_start3A_79] : memref<50x4096x128xf32, #tpu.memory_space<hbm>> -> memref<1x128x128xf32, #tpu.memory_space<hbm>>
    %dma_start3A_81 = tpu.memref_squeeze %dma_start3A_80 : memref<1x128x128xf32, #tpu.memory_space<hbm>> -> memref<128x128xf32, #tpu.memory_space<hbm>>
    %dma_start3A_82 = arith.constant 0 : i32
    %dma_start3A_83 = tpu.memref_slice %arg4[%dma_start3A_74, %mul3A_2, %dma_start3A_82] : memref<50x4096x128xf32, #tpu.memory_space<hbm>> -> memref<1x128x128xf32, #tpu.memory_space<hbm>>
    %dma_start3A_84 = tpu.memref_squeeze %dma_start3A_83 : memref<1x128x128xf32, #tpu.memory_space<hbm>> -> memref<128x128xf32, #tpu.memory_space<hbm>>
    %dma_start3A_85 = arith.constant 0 : i32
    %dma_start3A_86 = arith.constant 0 : i32
    %dma_start3A_87 = tpu.memref_slice %arg6[%dma_start3A_73, %dma_start3A_85, %dma_start3A_86] : memref<6x128x128xf32, #tpu.memory_space<vmem>> -> memref<1x128x128xf32, #tpu.memory_space<vmem>>
    %dma_start3A_88 = tpu.memref_squeeze %dma_start3A_87 : memref<1x128x128xf32, #tpu.memory_space<vmem>> -> memref<128x128xf32, #tpu.memory_space<vmem>>
    tpu.enqueue_dma source(%dma_start3A_88 : memref<128x128xf32, #tpu.memory_space<vmem>>) target(%dma_start3A_84 : memref<128x128xf32, #tpu.memory_space<hbm>>) target_semaphore(%arg13 : memref<!tpu.dma_semaphore, #tpu.memory_space<semaphore_mem>>)
    %dma_start3A_89 = arith.constant 5 : i32
    %dma_start3A_90 = arith.constant 5 : i32
    %dma_start3A_91 = arith.constant 0 : i32
    %dma_start3A_92 = arith.constant 0 : i32
    %dma_start3A_93 = tpu.memref_slice %arg6[%dma_start3A_90, %dma_start3A_91, %dma_start3A_92] : memref<6x128x128xf32, #tpu.memory_space<vmem>> -> memref<1x128x128xf32, #tpu.memory_space<vmem>>
    %dma_start3A_94 = tpu.memref_squeeze %dma_start3A_93 : memref<1x128x128xf32, #tpu.memory_space<vmem>> -> memref<128x128xf32, #tpu.memory_space<vmem>>
    %dma_start3A_95 = arith.constant 0 : i32
    %dma_start3A_96 = tpu.memref_slice %arg5[%dma_start3A_89, %dma_start3A_95] : memref<50x128xi32, #tpu.memory_space<vmem>> -> memref<1x128xi32, #tpu.memory_space<vmem>>
    %dma_start3A_97 = tpu.memref_squeeze %dma_start3A_96 : memref<1x128xi32, #tpu.memory_space<vmem>> -> memref<128xi32, #tpu.memory_space<vmem>>
    %dma_start3A_98 = arith.constant 0 : i32
    %dma_start3A_99 = arith.constant 0 : i32
    %dma_start3A_100 = tpu.memref_slice %arg3[%dma_start3A_98, %dma_start3A_99] : memref<100000x128xf32, #tpu.memory_space<hbm>> -> memref<100000x128xf32, #tpu.memory_space<hbm>>
    tpu.enqueue_indirect_dma source(%dma_start3A_100 : memref<100000x128xf32, #tpu.memory_space<hbm>>) target(%dma_start3A_94 : memref<128x128xf32, #tpu.memory_space<vmem>>) offsets(%dma_start3A_97 : memref<128xi32, #tpu.memory_space<vmem>>) semaphore(%arg12 : memref<!tpu.dma_semaphore, #tpu.memory_space<semaphore_mem>>)
    %scan3A = arith.constant 0 : i32
    %scan3A_101 = arith.constant 0 : i32
    %scan3A_102 = arith.constant 7 : i32
    %scan3A_103 = arith.addi %scan3A_101, %scan3A_102 : i32
    %scan3A_104 = arith.constant 1 : i32
    scf.for %scan3A_454 = %scan3A_101 to %scan3A_103 step %scan3A_104  : i32 {
      %mul3A_455 = arith.constant 6 : i32
      %mul3A_456 = arith.muli %mul3A_455, %scan3A_454 : i32
      %add3A_457 = arith.constant 1 : i32
      %add3A_458 = arith.addi %add3A_457, %mul3A_456 : i32
      %add3A_459 = arith.constant 0 : i32
      %add3A_460 = arith.addi %add3A_458, %add3A_459 : i32
      %dma_wait3A_461 = arith.constant 1 : i32
      %dma_wait3A_462 = arith.constant 0 : i32
      %dma_wait3A_463 = arith.constant 0 : i32
      %dma_wait3A_464 = tpu.memref_slice %arg6[%dma_wait3A_461, %dma_wait3A_462, %dma_wait3A_463] : memref<6x128x128xf32, #tpu.memory_space<vmem>> -> memref<1x128x128xf32, #tpu.memory_space<vmem>>
      %dma_wait3A_465 = tpu.memref_squeeze %dma_wait3A_464 : memref<1x128x128xf32, #tpu.memory_space<vmem>> -> memref<128x128xf32, #tpu.memory_space<vmem>>
      %dma_wait3A_466 = arith.constant 0 : i32
      %dma_wait3A_467 = tpu.memref_slice %arg5[%add3A_460, %dma_wait3A_466] : memref<50x128xi32, #tpu.memory_space<vmem>> -> memref<1x128xi32, #tpu.memory_space<vmem>>
      %dma_wait3A_468 = tpu.memref_squeeze %dma_wait3A_467 : memref<1x128xi32, #tpu.memory_space<vmem>> -> memref<128xi32, #tpu.memory_space<vmem>>
      %dma_wait3A_469 = arith.constant 0 : i32
      %dma_wait3A_470 = arith.constant 0 : i32
      %dma_wait3A_471 = tpu.memref_slice %arg3[%dma_wait3A_469, %dma_wait3A_470] : memref<100000x128xf32, #tpu.memory_space<hbm>> -> memref<100000x128xf32, #tpu.memory_space<hbm>>
      tpu.wait_indirect_dma semaphore(%arg8 : memref<!tpu.dma_semaphore, #tpu.memory_space<semaphore_mem>>) src(%dma_wait3A_471 : memref<100000x128xf32, #tpu.memory_space<hbm>>) dst(%dma_wait3A_465 : memref<128x128xf32, #tpu.memory_space<vmem>>)
      %dma_start3A_472 = arith.constant 1 : i32
      %dma_start3A_473 = arith.constant 0 : i32
      %dma_start3A_474 = arith.constant 0 : i32
      %dma_start3A_475 = tpu.memref_slice %arg6[%dma_start3A_472, %dma_start3A_473, %dma_start3A_474] : memref<6x128x128xf32, #tpu.memory_space<vmem>> -> memref<1x128x128xf32, #tpu.memory_space<vmem>>
      %dma_start3A_476 = tpu.memref_squeeze %dma_start3A_475 : memref<1x128x128xf32, #tpu.memory_space<vmem>> -> memref<128x128xf32, #tpu.memory_space<vmem>>
      %dma_start3A_477 = arith.constant 0 : i32
      %dma_start3A_478 = tpu.memref_slice %arg4[%add3A_460, %mul3A_2, %dma_start3A_477] : memref<50x4096x128xf32, #tpu.memory_space<hbm>> -> memref<1x128x128xf32, #tpu.memory_space<hbm>>
      %dma_start3A_479 = tpu.memref_squeeze %dma_start3A_478 : memref<1x128x128xf32, #tpu.memory_space<hbm>> -> memref<128x128xf32, #tpu.memory_space<hbm>>
      %dma_start3A_480 = arith.constant 0 : i32
      %dma_start3A_481 = tpu.memref_slice %arg4[%add3A_460, %mul3A_2, %dma_start3A_480] : memref<50x4096x128xf32, #tpu.memory_space<hbm>> -> memref<1x128x128xf32, #tpu.memory_space<hbm>>
      %dma_start3A_482 = tpu.memref_squeeze %dma_start3A_481 : memref<1x128x128xf32, #tpu.memory_space<hbm>> -> memref<128x128xf32, #tpu.memory_space<hbm>>
      %dma_start3A_483 = arith.constant 0 : i32
      %dma_start3A_484 = arith.constant 0 : i32
      %dma_start3A_485 = tpu.memref_slice %arg6[%dma_start3A_472, %dma_start3A_483, %dma_start3A_484] : memref<6x128x128xf32, #tpu.memory_space<vmem>> -> memref<1x128x128xf32, #tpu.memory_space<vmem>>
      %dma_start3A_486 = tpu.memref_squeeze %dma_start3A_485 : memref<1x128x128xf32, #tpu.memory_space<vmem>> -> memref<128x128xf32, #tpu.memory_space<vmem>>
      tpu.enqueue_dma source(%dma_start3A_486 : memref<128x128xf32, #tpu.memory_space<vmem>>) target(%dma_start3A_482 : memref<128x128xf32, #tpu.memory_space<hbm>>) target_semaphore(%arg14 : memref<!tpu.dma_semaphore, #tpu.memory_space<semaphore_mem>>)
      %sub3A = arith.constant 1 : i32
      %sub3A_487 = arith.subi %add3A_460, %sub3A : i32
      %dma_wait3A_488 = arith.constant 0 : i32
      %dma_wait3A_489 = arith.constant 0 : i32
      %dma_wait3A_490 = arith.constant 0 : i32
      %dma_wait3A_491 = tpu.memref_slice %arg6[%dma_wait3A_488, %dma_wait3A_489, %dma_wait3A_490] : memref<6x128x128xf32, #tpu.memory_space<vmem>> -> memref<1x128x128xf32, #tpu.memory_space<vmem>>
      %dma_wait3A_492 = tpu.memref_squeeze %dma_wait3A_491 : memref<1x128x128xf32, #tpu.memory_space<vmem>> -> memref<128x128xf32, #tpu.memory_space<vmem>>
      %dma_wait3A_493 = arith.constant 0 : i32
      %dma_wait3A_494 = tpu.memref_slice %arg4[%sub3A_487, %mul3A_2, %dma_wait3A_493] : memref<50x4096x128xf32, #tpu.memory_space<hbm>> -> memref<1x128x128xf32, #tpu.memory_space<hbm>>
      %dma_wait3A_495 = tpu.memref_squeeze %dma_wait3A_494 : memref<1x128x128xf32, #tpu.memory_space<hbm>> -> memref<128x128xf32, #tpu.memory_space<hbm>>
      %dma_wait3A_496 = arith.constant 0 : i32
      %dma_wait3A_497 = tpu.memref_slice %arg4[%sub3A_487, %mul3A_2, %dma_wait3A_496] : memref<50x4096x128xf32, #tpu.memory_space<hbm>> -> memref<1x128x128xf32, #tpu.memory_space<hbm>>
      %dma_wait3A_498 = tpu.memref_squeeze %dma_wait3A_497 : memref<1x128x128xf32, #tpu.memory_space<hbm>> -> memref<128x128xf32, #tpu.memory_space<hbm>>
      %dma_wait3A_499 = arith.constant 0 : i32
      %dma_wait3A_500 = arith.constant 0 : i32
      %dma_wait3A_501 = tpu.memref_slice %arg6[%dma_wait3A_488, %dma_wait3A_499, %dma_wait3A_500] : memref<6x128x128xf32, #tpu.memory_space<vmem>> -> memref<1x128x128xf32, #tpu.memory_space<vmem>>
      %dma_wait3A_502 = tpu.memref_squeeze %dma_wait3A_501 : memref<1x128x128xf32, #tpu.memory_space<vmem>> -> memref<128x128xf32, #tpu.memory_space<vmem>>
      tpu.wait_dma2 semaphore(%arg13 : memref<!tpu.dma_semaphore, #tpu.memory_space<semaphore_mem>>) src(%dma_wait3A_502 : memref<128x128xf32, #tpu.memory_space<vmem>>) dst(%dma_wait3A_498 : memref<128x128xf32, #tpu.memory_space<hbm>>)
      %add3A_503 = arith.constant 6 : i32
      %add3A_504 = arith.addi %add3A_460, %add3A_503 : i32
      %sub3A_505 = arith.constant 1 : i32
      %sub3A_506 = arith.subi %add3A_504, %sub3A_505 : i32
      %dma_start3A_507 = arith.constant 0 : i32
      %dma_start3A_508 = arith.constant 0 : i32
      %dma_start3A_509 = arith.constant 0 : i32
      %dma_start3A_510 = tpu.memref_slice %arg6[%dma_start3A_507, %dma_start3A_508, %dma_start3A_509] : memref<6x128x128xf32, #tpu.memory_space<vmem>> -> memref<1x128x128xf32, #tpu.memory_space<vmem>>
      %dma_start3A_511 = tpu.memref_squeeze %dma_start3A_510 : memref<1x128x128xf32, #tpu.memory_space<vmem>> -> memref<128x128xf32, #tpu.memory_space<vmem>>
      %dma_start3A_512 = arith.constant 0 : i32
      %dma_start3A_513 = tpu.memref_slice %arg5[%sub3A_506, %dma_start3A_512] : memref<50x128xi32, #tpu.memory_space<vmem>> -> memref<1x128xi32, #tpu.memory_space<vmem>>
      %dma_start3A_514 = tpu.memref_squeeze %dma_start3A_513 : memref<1x128xi32, #tpu.memory_space<vmem>> -> memref<128xi32, #tpu.memory_space<vmem>>
      %dma_start3A_515 = arith.constant 0 : i32
      %dma_start3A_516 = arith.constant 0 : i32
      %dma_start3A_517 = tpu.memref_slice %arg3[%dma_start3A_515, %dma_start3A_516] : memref<100000x128xf32, #tpu.memory_space<hbm>> -> memref<100000x128xf32, #tpu.memory_space<hbm>>
      tpu.enqueue_indirect_dma source(%dma_start3A_517 : memref<100000x128xf32, #tpu.memory_space<hbm>>) target(%dma_start3A_511 : memref<128x128xf32, #tpu.memory_space<vmem>>) offsets(%dma_start3A_514 : memref<128xi32, #tpu.memory_space<vmem>>) semaphore(%arg7 : memref<!tpu.dma_semaphore, #tpu.memory_space<semaphore_mem>>)
      %add3A_518 = arith.constant 1 : i32
      %add3A_519 = arith.addi %add3A_458, %add3A_518 : i32
      %dma_wait3A_520 = arith.constant 2 : i32
      %dma_wait3A_521 = arith.constant 0 : i32
      %dma_wait3A_522 = arith.constant 0 : i32
      %dma_wait3A_523 = tpu.memref_slice %arg6[%dma_wait3A_520, %dma_wait3A_521, %dma_wait3A_522] : memref<6x128x128xf32, #tpu.memory_space<vmem>> -> memref<1x128x128xf32, #tpu.memory_space<vmem>>
      %dma_wait3A_524 = tpu.memref_squeeze %dma_wait3A_523 : memref<1x128x128xf32, #tpu.memory_space<vmem>> -> memref<128x128xf32, #tpu.memory_space<vmem>>
      %dma_wait3A_525 = arith.constant 0 : i32
      %dma_wait3A_526 = tpu.memref_slice %arg5[%add3A_519, %dma_wait3A_525] : memref<50x128xi32, #tpu.memory_space<vmem>> -> memref<1x128xi32, #tpu.memory_space<vmem>>
      %dma_wait3A_527 = tpu.memref_squeeze %dma_wait3A_526 : memref<1x128xi32, #tpu.memory_space<vmem>> -> memref<128xi32, #tpu.memory_space<vmem>>
      %dma_wait3A_528 = arith.constant 0 : i32
      %dma_wait3A_529 = arith.constant 0 : i32
      %dma_wait3A_530 = tpu.memref_slice %arg3[%dma_wait3A_528, %dma_wait3A_529] : memref<100000x128xf32, #tpu.memory_space<hbm>> -> memref<100000x128xf32, #tpu.memory_space<hbm>>
      tpu.wait_indirect_dma semaphore(%arg9 : memref<!tpu.dma_semaphore, #tpu.memory_space<semaphore_mem>>) src(%dma_wait3A_530 : memref<100000x128xf32, #tpu.memory_space<hbm>>) dst(%dma_wait3A_524 : memref<128x128xf32, #tpu.memory_space<vmem>>)
      %dma_start3A_531 = arith.constant 2 : i32
      %dma_start3A_532 = arith.constant 0 : i32
      %dma_start3A_533 = arith.constant 0 : i32
      %dma_start3A_534 = tpu.memref_slice %arg6[%dma_start3A_531, %dma_start3A_532, %dma_start3A_533] : memref<6x128x128xf32, #tpu.memory_space<vmem>> -> memref<1x128x128xf32, #tpu.memory_space<vmem>>
      %dma_start3A_535 = tpu.memref_squeeze %dma_start3A_534 : memref<1x128x128xf32, #tpu.memory_space<vmem>> -> memref<128x128xf32, #tpu.memory_space<vmem>>
      %dma_start3A_536 = arith.constant 0 : i32
      %dma_start3A_537 = tpu.memref_slice %arg4[%add3A_519, %mul3A_2, %dma_start3A_536] : memref<50x4096x128xf32, #tpu.memory_space<hbm>> -> memref<1x128x128xf32, #tpu.memory_space<hbm>>
      %dma_start3A_538 = tpu.memref_squeeze %dma_start3A_537 : memref<1x128x128xf32, #tpu.memory_space<hbm>> -> memref<128x128xf32, #tpu.memory_space<hbm>>
      %dma_start3A_539 = arith.constant 0 : i32
      %dma_start3A_540 = tpu.memref_slice %arg4[%add3A_519, %mul3A_2, %dma_start3A_539] : memref<50x4096x128xf32, #tpu.memory_space<hbm>> -> memref<1x128x128xf32, #tpu.memory_space<hbm>>
      %dma_start3A_541 = tpu.memref_squeeze %dma_start3A_540 : memref<1x128x128xf32, #tpu.memory_space<hbm>> -> memref<128x128xf32, #tpu.memory_space<hbm>>
      %dma_start3A_542 = arith.constant 0 : i32
      %dma_start3A_543 = arith.constant 0 : i32
      %dma_start3A_544 = tpu.memref_slice %arg6[%dma_start3A_531, %dma_start3A_542, %dma_start3A_543] : memref<6x128x128xf32, #tpu.memory_space<vmem>> -> memref<1x128x128xf32, #tpu.memory_space<vmem>>
      %dma_start3A_545 = tpu.memref_squeeze %dma_start3A_544 : memref<1x128x128xf32, #tpu.memory_space<vmem>> -> memref<128x128xf32, #tpu.memory_space<vmem>>
      tpu.enqueue_dma source(%dma_start3A_545 : memref<128x128xf32, #tpu.memory_space<vmem>>) target(%dma_start3A_541 : memref<128x128xf32, #tpu.memory_space<hbm>>) target_semaphore(%arg15 : memref<!tpu.dma_semaphore, #tpu.memory_space<semaphore_mem>>)
      %sub3A_546 = arith.constant 1 : i32
      %sub3A_547 = arith.subi %add3A_519, %sub3A_546 : i32
      %dma_wait3A_548 = arith.constant 1 : i32
      %dma_wait3A_549 = arith.constant 0 : i32
      %dma_wait3A_550 = arith.constant 0 : i32
      %dma_wait3A_551 = tpu.memref_slice %arg6[%dma_wait3A_548, %dma_wait3A_549, %dma_wait3A_550] : memref<6x128x128xf32, #tpu.memory_space<vmem>> -> memref<1x128x128xf32, #tpu.memory_space<vmem>>
      %dma_wait3A_552 = tpu.memref_squeeze %dma_wait3A_551 : memref<1x128x128xf32, #tpu.memory_space<vmem>> -> memref<128x128xf32, #tpu.memory_space<vmem>>
      %dma_wait3A_553 = arith.constant 0 : i32
      %dma_wait3A_554 = tpu.memref_slice %arg4[%sub3A_547, %mul3A_2, %dma_wait3A_553] : memref<50x4096x128xf32, #tpu.memory_space<hbm>> -> memref<1x128x128xf32, #tpu.memory_space<hbm>>
      %dma_wait3A_555 = tpu.memref_squeeze %dma_wait3A_554 : memref<1x128x128xf32, #tpu.memory_space<hbm>> -> memref<128x128xf32, #tpu.memory_space<hbm>>
      %dma_wait3A_556 = arith.constant 0 : i32
      %dma_wait3A_557 = tpu.memref_slice %arg4[%sub3A_547, %mul3A_2, %dma_wait3A_556] : memref<50x4096x128xf32, #tpu.memory_space<hbm>> -> memref<1x128x128xf32, #tpu.memory_space<hbm>>
      %dma_wait3A_558 = tpu.memref_squeeze %dma_wait3A_557 : memref<1x128x128xf32, #tpu.memory_space<hbm>> -> memref<128x128xf32, #tpu.memory_space<hbm>>
      %dma_wait3A_559 = arith.constant 0 : i32
      %dma_wait3A_560 = arith.constant 0 : i32
      %dma_wait3A_561 = tpu.memref_slice %arg6[%dma_wait3A_548, %dma_wait3A_559, %dma_wait3A_560] : memref<6x128x128xf32, #tpu.memory_space<vmem>> -> memref<1x128x128xf32, #tpu.memory_space<vmem>>
      %dma_wait3A_562 = tpu.memref_squeeze %dma_wait3A_561 : memref<1x128x128xf32, #tpu.memory_space<vmem>> -> memref<128x128xf32, #tpu.memory_space<vmem>>
      tpu.wait_dma2 semaphore(%arg14 : memref<!tpu.dma_semaphore, #tpu.memory_space<semaphore_mem>>) src(%dma_wait3A_562 : memref<128x128xf32, #tpu.memory_space<vmem>>) dst(%dma_wait3A_558 : memref<128x128xf32, #tpu.memory_space<hbm>>)
      %add3A_563 = arith.constant 6 : i32
      %add3A_564 = arith.addi %add3A_519, %add3A_563 : i32
      %sub3A_565 = arith.constant 1 : i32
      %sub3A_566 = arith.subi %add3A_564, %sub3A_565 : i32
      %dma_start3A_567 = arith.constant 1 : i32
      %dma_start3A_568 = arith.constant 0 : i32
      %dma_start3A_569 = arith.constant 0 : i32
      %dma_start3A_570 = tpu.memref_slice %arg6[%dma_start3A_567, %dma_start3A_568, %dma_start3A_569] : memref<6x128x128xf32, #tpu.memory_space<vmem>> -> memref<1x128x128xf32, #tpu.memory_space<vmem>>
      %dma_start3A_571 = tpu.memref_squeeze %dma_start3A_570 : memref<1x128x128xf32, #tpu.memory_space<vmem>> -> memref<128x128xf32, #tpu.memory_space<vmem>>
      %dma_start3A_572 = arith.constant 0 : i32
      %dma_start3A_573 = tpu.memref_slice %arg5[%sub3A_566, %dma_start3A_572] : memref<50x128xi32, #tpu.memory_space<vmem>> -> memref<1x128xi32, #tpu.memory_space<vmem>>
      %dma_start3A_574 = tpu.memref_squeeze %dma_start3A_573 : memref<1x128xi32, #tpu.memory_space<vmem>> -> memref<128xi32, #tpu.memory_space<vmem>>
      %dma_start3A_575 = arith.constant 0 : i32
      %dma_start3A_576 = arith.constant 0 : i32
      %dma_start3A_577 = tpu.memref_slice %arg3[%dma_start3A_575, %dma_start3A_576] : memref<100000x128xf32, #tpu.memory_space<hbm>> -> memref<100000x128xf32, #tpu.memory_space<hbm>>
      tpu.enqueue_indirect_dma source(%dma_start3A_577 : memref<100000x128xf32, #tpu.memory_space<hbm>>) target(%dma_start3A_571 : memref<128x128xf32, #tpu.memory_space<vmem>>) offsets(%dma_start3A_574 : memref<128xi32, #tpu.memory_space<vmem>>) semaphore(%arg8 : memref<!tpu.dma_semaphore, #tpu.memory_space<semaphore_mem>>)
      %add3A_578 = arith.constant 2 : i32
      %add3A_579 = arith.addi %add3A_458, %add3A_578 : i32
      %dma_wait3A_580 = arith.constant 3 : i32
      %dma_wait3A_581 = arith.constant 0 : i32
      %dma_wait3A_582 = arith.constant 0 : i32
      %dma_wait3A_583 = tpu.memref_slice %arg6[%dma_wait3A_580, %dma_wait3A_581, %dma_wait3A_582] : memref<6x128x128xf32, #tpu.memory_space<vmem>> -> memref<1x128x128xf32, #tpu.memory_space<vmem>>
      %dma_wait3A_584 = tpu.memref_squeeze %dma_wait3A_583 : memref<1x128x128xf32, #tpu.memory_space<vmem>> -> memref<128x128xf32, #tpu.memory_space<vmem>>
      %dma_wait3A_585 = arith.constant 0 : i32
      %dma_wait3A_586 = tpu.memref_slice %arg5[%add3A_579, %dma_wait3A_585] : memref<50x128xi32, #tpu.memory_space<vmem>> -> memref<1x128xi32, #tpu.memory_space<vmem>>
      %dma_wait3A_587 = tpu.memref_squeeze %dma_wait3A_586 : memref<1x128xi32, #tpu.memory_space<vmem>> -> memref<128xi32, #tpu.memory_space<vmem>>
      %dma_wait3A_588 = arith.constant 0 : i32
      %dma_wait3A_589 = arith.constant 0 : i32
      %dma_wait3A_590 = tpu.memref_slice %arg3[%dma_wait3A_588, %dma_wait3A_589] : memref<100000x128xf32, #tpu.memory_space<hbm>> -> memref<100000x128xf32, #tpu.memory_space<hbm>>
      tpu.wait_indirect_dma semaphore(%arg10 : memref<!tpu.dma_semaphore, #tpu.memory_space<semaphore_mem>>) src(%dma_wait3A_590 : memref<100000x128xf32, #tpu.memory_space<hbm>>) dst(%dma_wait3A_584 : memref<128x128xf32, #tpu.memory_space<vmem>>)
      %dma_start3A_591 = arith.constant 3 : i32
      %dma_start3A_592 = arith.constant 0 : i32
      %dma_start3A_593 = arith.constant 0 : i32
      %dma_start3A_594 = tpu.memref_slice %arg6[%dma_start3A_591, %dma_start3A_592, %dma_start3A_593] : memref<6x128x128xf32, #tpu.memory_space<vmem>> -> memref<1x128x128xf32, #tpu.memory_space<vmem>>
      %dma_start3A_595 = tpu.memref_squeeze %dma_start3A_594 : memref<1x128x128xf32, #tpu.memory_space<vmem>> -> memref<128x128xf32, #tpu.memory_space<vmem>>
      %dma_start3A_596 = arith.constant 0 : i32
      %dma_start3A_597 = tpu.memref_slice %arg4[%add3A_579, %mul3A_2, %dma_start3A_596] : memref<50x4096x128xf32, #tpu.memory_space<hbm>> -> memref<1x128x128xf32, #tpu.memory_space<hbm>>
      %dma_start3A_598 = tpu.memref_squeeze %dma_start3A_597 : memref<1x128x128xf32, #tpu.memory_space<hbm>> -> memref<128x128xf32, #tpu.memory_space<hbm>>
      %dma_start3A_599 = arith.constant 0 : i32
      %dma_start3A_600 = tpu.memref_slice %arg4[%add3A_579, %mul3A_2, %dma_start3A_599] : memref<50x4096x128xf32, #tpu.memory_space<hbm>> -> memref<1x128x128xf32, #tpu.memory_space<hbm>>
      %dma_start3A_601 = tpu.memref_squeeze %dma_start3A_600 : memref<1x128x128xf32, #tpu.memory_space<hbm>> -> memref<128x128xf32, #tpu.memory_space<hbm>>
      %dma_start3A_602 = arith.constant 0 : i32
      %dma_start3A_603 = arith.constant 0 : i32
      %dma_start3A_604 = tpu.memref_slice %arg6[%dma_start3A_591, %dma_start3A_602, %dma_start3A_603] : memref<6x128x128xf32, #tpu.memory_space<vmem>> -> memref<1x128x128xf32, #tpu.memory_space<vmem>>
      %dma_start3A_605 = tpu.memref_squeeze %dma_start3A_604 : memref<1x128x128xf32, #tpu.memory_space<vmem>> -> memref<128x128xf32, #tpu.memory_space<vmem>>
      tpu.enqueue_dma source(%dma_start3A_605 : memref<128x128xf32, #tpu.memory_space<vmem>>) target(%dma_start3A_601 : memref<128x128xf32, #tpu.memory_space<hbm>>) target_semaphore(%arg16 : memref<!tpu.dma_semaphore, #tpu.memory_space<semaphore_mem>>)
      %sub3A_606 = arith.constant 1 : i32
      %sub3A_607 = arith.subi %add3A_579, %sub3A_606 : i32
      %dma_wait3A_608 = arith.constant 2 : i32
      %dma_wait3A_609 = arith.constant 0 : i32
      %dma_wait3A_610 = arith.constant 0 : i32
      %dma_wait3A_611 = tpu.memref_slice %arg6[%dma_wait3A_608, %dma_wait3A_609, %dma_wait3A_610] : memref<6x128x128xf32, #tpu.memory_space<vmem>> -> memref<1x128x128xf32, #tpu.memory_space<vmem>>
      %dma_wait3A_612 = tpu.memref_squeeze %dma_wait3A_611 : memref<1x128x128xf32, #tpu.memory_space<vmem>> -> memref<128x128xf32, #tpu.memory_space<vmem>>
      %dma_wait3A_613 = arith.constant 0 : i32
      %dma_wait3A_614 = tpu.memref_slice %arg4[%sub3A_607, %mul3A_2, %dma_wait3A_613] : memref<50x4096x128xf32, #tpu.memory_space<hbm>> -> memref<1x128x128xf32, #tpu.memory_space<hbm>>
      %dma_wait3A_615 = tpu.memref_squeeze %dma_wait3A_614 : memref<1x128x128xf32, #tpu.memory_space<hbm>> -> memref<128x128xf32, #tpu.memory_space<hbm>>
      %dma_wait3A_616 = arith.constant 0 : i32
      %dma_wait3A_617 = tpu.memref_slice %arg4[%sub3A_607, %mul3A_2, %dma_wait3A_616] : memref<50x4096x128xf32, #tpu.memory_space<hbm>> -> memref<1x128x128xf32, #tpu.memory_space<hbm>>
      %dma_wait3A_618 = tpu.memref_squeeze %dma_wait3A_617 : memref<1x128x128xf32, #tpu.memory_space<hbm>> -> memref<128x128xf32, #tpu.memory_space<hbm>>
      %dma_wait3A_619 = arith.constant 0 : i32
      %dma_wait3A_620 = arith.constant 0 : i32
      %dma_wait3A_621 = tpu.memref_slice %arg6[%dma_wait3A_608, %dma_wait3A_619, %dma_wait3A_620] : memref<6x128x128xf32, #tpu.memory_space<vmem>> -> memref<1x128x128xf32, #tpu.memory_space<vmem>>
      %dma_wait3A_622 = tpu.memref_squeeze %dma_wait3A_621 : memref<1x128x128xf32, #tpu.memory_space<vmem>> -> memref<128x128xf32, #tpu.memory_space<vmem>>
      tpu.wait_dma2 semaphore(%arg15 : memref<!tpu.dma_semaphore, #tpu.memory_space<semaphore_mem>>) src(%dma_wait3A_622 : memref<128x128xf32, #tpu.memory_space<vmem>>) dst(%dma_wait3A_618 : memref<128x128xf32, #tpu.memory_space<hbm>>)
      %add3A_623 = arith.constant 6 : i32
      %add3A_624 = arith.addi %add3A_579, %add3A_623 : i32
      %sub3A_625 = arith.constant 1 : i32
      %sub3A_626 = arith.subi %add3A_624, %sub3A_625 : i32
      %dma_start3A_627 = arith.constant 2 : i32
      %dma_start3A_628 = arith.constant 0 : i32
      %dma_start3A_629 = arith.constant 0 : i32
      %dma_start3A_630 = tpu.memref_slice %arg6[%dma_start3A_627, %dma_start3A_628, %dma_start3A_629] : memref<6x128x128xf32, #tpu.memory_space<vmem>> -> memref<1x128x128xf32, #tpu.memory_space<vmem>>
      %dma_start3A_631 = tpu.memref_squeeze %dma_start3A_630 : memref<1x128x128xf32, #tpu.memory_space<vmem>> -> memref<128x128xf32, #tpu.memory_space<vmem>>
      %dma_start3A_632 = arith.constant 0 : i32
      %dma_start3A_633 = tpu.memref_slice %arg5[%sub3A_626, %dma_start3A_632] : memref<50x128xi32, #tpu.memory_space<vmem>> -> memref<1x128xi32, #tpu.memory_space<vmem>>
      %dma_start3A_634 = tpu.memref_squeeze %dma_start3A_633 : memref<1x128xi32, #tpu.memory_space<vmem>> -> memref<128xi32, #tpu.memory_space<vmem>>
      %dma_start3A_635 = arith.constant 0 : i32
      %dma_start3A_636 = arith.constant 0 : i32
      %dma_start3A_637 = tpu.memref_slice %arg3[%dma_start3A_635, %dma_start3A_636] : memref<100000x128xf32, #tpu.memory_space<hbm>> -> memref<100000x128xf32, #tpu.memory_space<hbm>>
      tpu.enqueue_indirect_dma source(%dma_start3A_637 : memref<100000x128xf32, #tpu.memory_space<hbm>>) target(%dma_start3A_631 : memref<128x128xf32, #tpu.memory_space<vmem>>) offsets(%dma_start3A_634 : memref<128xi32, #tpu.memory_space<vmem>>) semaphore(%arg9 : memref<!tpu.dma_semaphore, #tpu.memory_space<semaphore_mem>>)
      %add3A_638 = arith.constant 3 : i32
      %add3A_639 = arith.addi %add3A_458, %add3A_638 : i32
      %dma_wait3A_640 = arith.constant 4 : i32
      %dma_wait3A_641 = arith.constant 0 : i32
      %dma_wait3A_642 = arith.constant 0 : i32
      %dma_wait3A_643 = tpu.memref_slice %arg6[%dma_wait3A_640, %dma_wait3A_641, %dma_wait3A_642] : memref<6x128x128xf32, #tpu.memory_space<vmem>> -> memref<1x128x128xf32, #tpu.memory_space<vmem>>
      %dma_wait3A_644 = tpu.memref_squeeze %dma_wait3A_643 : memref<1x128x128xf32, #tpu.memory_space<vmem>> -> memref<128x128xf32, #tpu.memory_space<vmem>>
      %dma_wait3A_645 = arith.constant 0 : i32
      %dma_wait3A_646 = tpu.memref_slice %arg5[%add3A_639, %dma_wait3A_645] : memref<50x128xi32, #tpu.memory_space<vmem>> -> memref<1x128xi32, #tpu.memory_space<vmem>>
      %dma_wait3A_647 = tpu.memref_squeeze %dma_wait3A_646 : memref<1x128xi32, #tpu.memory_space<vmem>> -> memref<128xi32, #tpu.memory_space<vmem>>
      %dma_wait3A_648 = arith.constant 0 : i32
      %dma_wait3A_649 = arith.constant 0 : i32
      %dma_wait3A_650 = tpu.memref_slice %arg3[%dma_wait3A_648, %dma_wait3A_649] : memref<100000x128xf32, #tpu.memory_space<hbm>> -> memref<100000x128xf32, #tpu.memory_space<hbm>>
      tpu.wait_indirect_dma semaphore(%arg11 : memref<!tpu.dma_semaphore, #tpu.memory_space<semaphore_mem>>) src(%dma_wait3A_650 : memref<100000x128xf32, #tpu.memory_space<hbm>>) dst(%dma_wait3A_644 : memref<128x128xf32, #tpu.memory_space<vmem>>)
      %dma_start3A_651 = arith.constant 4 : i32
      %dma_start3A_652 = arith.constant 0 : i32
      %dma_start3A_653 = arith.constant 0 : i32
      %dma_start3A_654 = tpu.memref_slice %arg6[%dma_start3A_651, %dma_start3A_652, %dma_start3A_653] : memref<6x128x128xf32, #tpu.memory_space<vmem>> -> memref<1x128x128xf32, #tpu.memory_space<vmem>>
      %dma_start3A_655 = tpu.memref_squeeze %dma_start3A_654 : memref<1x128x128xf32, #tpu.memory_space<vmem>> -> memref<128x128xf32, #tpu.memory_space<vmem>>
      %dma_start3A_656 = arith.constant 0 : i32
      %dma_start3A_657 = tpu.memref_slice %arg4[%add3A_639, %mul3A_2, %dma_start3A_656] : memref<50x4096x128xf32, #tpu.memory_space<hbm>> -> memref<1x128x128xf32, #tpu.memory_space<hbm>>
      %dma_start3A_658 = tpu.memref_squeeze %dma_start3A_657 : memref<1x128x128xf32, #tpu.memory_space<hbm>> -> memref<128x128xf32, #tpu.memory_space<hbm>>
      %dma_start3A_659 = arith.constant 0 : i32
      %dma_start3A_660 = tpu.memref_slice %arg4[%add3A_639, %mul3A_2, %dma_start3A_659] : memref<50x4096x128xf32, #tpu.memory_space<hbm>> -> memref<1x128x128xf32, #tpu.memory_space<hbm>>
      %dma_start3A_661 = tpu.memref_squeeze %dma_start3A_660 : memref<1x128x128xf32, #tpu.memory_space<hbm>> -> memref<128x128xf32, #tpu.memory_space<hbm>>
      %dma_start3A_662 = arith.constant 0 : i32
      %dma_start3A_663 = arith.constant 0 : i32
      %dma_start3A_664 = tpu.memref_slice %arg6[%dma_start3A_651, %dma_start3A_662, %dma_start3A_663] : memref<6x128x128xf32, #tpu.memory_space<vmem>> -> memref<1x128x128xf32, #tpu.memory_space<vmem>>
      %dma_start3A_665 = tpu.memref_squeeze %dma_start3A_664 : memref<1x128x128xf32, #tpu.memory_space<vmem>> -> memref<128x128xf32, #tpu.memory_space<vmem>>
      tpu.enqueue_dma source(%dma_start3A_665 : memref<128x128xf32, #tpu.memory_space<vmem>>) target(%dma_start3A_661 : memref<128x128xf32, #tpu.memory_space<hbm>>) target_semaphore(%arg17 : memref<!tpu.dma_semaphore, #tpu.memory_space<semaphore_mem>>)
      %sub3A_666 = arith.constant 1 : i32
      %sub3A_667 = arith.subi %add3A_639, %sub3A_666 : i32
      %dma_wait3A_668 = arith.constant 3 : i32
      %dma_wait3A_669 = arith.constant 0 : i32
      %dma_wait3A_670 = arith.constant 0 : i32
      %dma_wait3A_671 = tpu.memref_slice %arg6[%dma_wait3A_668, %dma_wait3A_669, %dma_wait3A_670] : memref<6x128x128xf32, #tpu.memory_space<vmem>> -> memref<1x128x128xf32, #tpu.memory_space<vmem>>
      %dma_wait3A_672 = tpu.memref_squeeze %dma_wait3A_671 : memref<1x128x128xf32, #tpu.memory_space<vmem>> -> memref<128x128xf32, #tpu.memory_space<vmem>>
      %dma_wait3A_673 = arith.constant 0 : i32
      %dma_wait3A_674 = tpu.memref_slice %arg4[%sub3A_667, %mul3A_2, %dma_wait3A_673] : memref<50x4096x128xf32, #tpu.memory_space<hbm>> -> memref<1x128x128xf32, #tpu.memory_space<hbm>>
      %dma_wait3A_675 = tpu.memref_squeeze %dma_wait3A_674 : memref<1x128x128xf32, #tpu.memory_space<hbm>> -> memref<128x128xf32, #tpu.memory_space<hbm>>
      %dma_wait3A_676 = arith.constant 0 : i32
      %dma_wait3A_677 = tpu.memref_slice %arg4[%sub3A_667, %mul3A_2, %dma_wait3A_676] : memref<50x4096x128xf32, #tpu.memory_space<hbm>> -> memref<1x128x128xf32, #tpu.memory_space<hbm>>
      %dma_wait3A_678 = tpu.memref_squeeze %dma_wait3A_677 : memref<1x128x128xf32, #tpu.memory_space<hbm>> -> memref<128x128xf32, #tpu.memory_space<hbm>>
      %dma_wait3A_679 = arith.constant 0 : i32
      %dma_wait3A_680 = arith.constant 0 : i32
      %dma_wait3A_681 = tpu.memref_slice %arg6[%dma_wait3A_668, %dma_wait3A_679, %dma_wait3A_680] : memref<6x128x128xf32, #tpu.memory_space<vmem>> -> memref<1x128x128xf32, #tpu.memory_space<vmem>>
      %dma_wait3A_682 = tpu.memref_squeeze %dma_wait3A_681 : memref<1x128x128xf32, #tpu.memory_space<vmem>> -> memref<128x128xf32, #tpu.memory_space<vmem>>
      tpu.wait_dma2 semaphore(%arg16 : memref<!tpu.dma_semaphore, #tpu.memory_space<semaphore_mem>>) src(%dma_wait3A_682 : memref<128x128xf32, #tpu.memory_space<vmem>>) dst(%dma_wait3A_678 : memref<128x128xf32, #tpu.memory_space<hbm>>)
      %add3A_683 = arith.constant 6 : i32
      %add3A_684 = arith.addi %add3A_639, %add3A_683 : i32
      %sub3A_685 = arith.constant 1 : i32
      %sub3A_686 = arith.subi %add3A_684, %sub3A_685 : i32
      %dma_start3A_687 = arith.constant 3 : i32
      %dma_start3A_688 = arith.constant 0 : i32
      %dma_start3A_689 = arith.constant 0 : i32
      %dma_start3A_690 = tpu.memref_slice %arg6[%dma_start3A_687, %dma_start3A_688, %dma_start3A_689] : memref<6x128x128xf32, #tpu.memory_space<vmem>> -> memref<1x128x128xf32, #tpu.memory_space<vmem>>
      %dma_start3A_691 = tpu.memref_squeeze %dma_start3A_690 : memref<1x128x128xf32, #tpu.memory_space<vmem>> -> memref<128x128xf32, #tpu.memory_space<vmem>>
      %dma_start3A_692 = arith.constant 0 : i32
      %dma_start3A_693 = tpu.memref_slice %arg5[%sub3A_686, %dma_start3A_692] : memref<50x128xi32, #tpu.memory_space<vmem>> -> memref<1x128xi32, #tpu.memory_space<vmem>>
      %dma_start3A_694 = tpu.memref_squeeze %dma_start3A_693 : memref<1x128xi32, #tpu.memory_space<vmem>> -> memref<128xi32, #tpu.memory_space<vmem>>
      %dma_start3A_695 = arith.constant 0 : i32
      %dma_start3A_696 = arith.constant 0 : i32
      %dma_start3A_697 = tpu.memref_slice %arg3[%dma_start3A_695, %dma_start3A_696] : memref<100000x128xf32, #tpu.memory_space<hbm>> -> memref<100000x128xf32, #tpu.memory_space<hbm>>
      tpu.enqueue_indirect_dma source(%dma_start3A_697 : memref<100000x128xf32, #tpu.memory_space<hbm>>) target(%dma_start3A_691 : memref<128x128xf32, #tpu.memory_space<vmem>>) offsets(%dma_start3A_694 : memref<128xi32, #tpu.memory_space<vmem>>) semaphore(%arg10 : memref<!tpu.dma_semaphore, #tpu.memory_space<semaphore_mem>>)
      %add3A_698 = arith.constant 4 : i32
      %add3A_699 = arith.addi %add3A_458, %add3A_698 : i32
      %dma_wait3A_700 = arith.constant 5 : i32
      %dma_wait3A_701 = arith.constant 0 : i32
      %dma_wait3A_702 = arith.constant 0 : i32
      %dma_wait3A_703 = tpu.memref_slice %arg6[%dma_wait3A_700, %dma_wait3A_701, %dma_wait3A_702] : memref<6x128x128xf32, #tpu.memory_space<vmem>> -> memref<1x128x128xf32, #tpu.memory_space<vmem>>
      %dma_wait3A_704 = tpu.memref_squeeze %dma_wait3A_703 : memref<1x128x128xf32, #tpu.memory_space<vmem>> -> memref<128x128xf32, #tpu.memory_space<vmem>>
      %dma_wait3A_705 = arith.constant 0 : i32
      %dma_wait3A_706 = tpu.memref_slice %arg5[%add3A_699, %dma_wait3A_705] : memref<50x128xi32, #tpu.memory_space<vmem>> -> memref<1x128xi32, #tpu.memory_space<vmem>>
      %dma_wait3A_707 = tpu.memref_squeeze %dma_wait3A_706 : memref<1x128xi32, #tpu.memory_space<vmem>> -> memref<128xi32, #tpu.memory_space<vmem>>
      %dma_wait3A_708 = arith.constant 0 : i32
      %dma_wait3A_709 = arith.constant 0 : i32
      %dma_wait3A_710 = tpu.memref_slice %arg3[%dma_wait3A_708, %dma_wait3A_709] : memref<100000x128xf32, #tpu.memory_space<hbm>> -> memref<100000x128xf32, #tpu.memory_space<hbm>>
      tpu.wait_indirect_dma semaphore(%arg12 : memref<!tpu.dma_semaphore, #tpu.memory_space<semaphore_mem>>) src(%dma_wait3A_710 : memref<100000x128xf32, #tpu.memory_space<hbm>>) dst(%dma_wait3A_704 : memref<128x128xf32, #tpu.memory_space<vmem>>)
      %dma_start3A_711 = arith.constant 5 : i32
      %dma_start3A_712 = arith.constant 0 : i32
      %dma_start3A_713 = arith.constant 0 : i32
      %dma_start3A_714 = tpu.memref_slice %arg6[%dma_start3A_711, %dma_start3A_712, %dma_start3A_713] : memref<6x128x128xf32, #tpu.memory_space<vmem>> -> memref<1x128x128xf32, #tpu.memory_space<vmem>>
      %dma_start3A_715 = tpu.memref_squeeze %dma_start3A_714 : memref<1x128x128xf32, #tpu.memory_space<vmem>> -> memref<128x128xf32, #tpu.memory_space<vmem>>
      %dma_start3A_716 = arith.constant 0 : i32
      %dma_start3A_717 = tpu.memref_slice %arg4[%add3A_699, %mul3A_2, %dma_start3A_716] : memref<50x4096x128xf32, #tpu.memory_space<hbm>> -> memref<1x128x128xf32, #tpu.memory_space<hbm>>
      %dma_start3A_718 = tpu.memref_squeeze %dma_start3A_717 : memref<1x128x128xf32, #tpu.memory_space<hbm>> -> memref<128x128xf32, #tpu.memory_space<hbm>>
      %dma_start3A_719 = arith.constant 0 : i32
      %dma_start3A_720 = tpu.memref_slice %arg4[%add3A_699, %mul3A_2, %dma_start3A_719] : memref<50x4096x128xf32, #tpu.memory_space<hbm>> -> memref<1x128x128xf32, #tpu.memory_space<hbm>>
      %dma_start3A_721 = tpu.memref_squeeze %dma_start3A_720 : memref<1x128x128xf32, #tpu.memory_space<hbm>> -> memref<128x128xf32, #tpu.memory_space<hbm>>
      %dma_start3A_722 = arith.constant 0 : i32
      %dma_start3A_723 = arith.constant 0 : i32
      %dma_start3A_724 = tpu.memref_slice %arg6[%dma_start3A_711, %dma_start3A_722, %dma_start3A_723] : memref<6x128x128xf32, #tpu.memory_space<vmem>> -> memref<1x128x128xf32, #tpu.memory_space<vmem>>
      %dma_start3A_725 = tpu.memref_squeeze %dma_start3A_724 : memref<1x128x128xf32, #tpu.memory_space<vmem>> -> memref<128x128xf32, #tpu.memory_space<vmem>>
      tpu.enqueue_dma source(%dma_start3A_725 : memref<128x128xf32, #tpu.memory_space<vmem>>) target(%dma_start3A_721 : memref<128x128xf32, #tpu.memory_space<hbm>>) target_semaphore(%arg18 : memref<!tpu.dma_semaphore, #tpu.memory_space<semaphore_mem>>)
      %sub3A_726 = arith.constant 1 : i32
      %sub3A_727 = arith.subi %add3A_699, %sub3A_726 : i32
      %dma_wait3A_728 = arith.constant 4 : i32
      %dma_wait3A_729 = arith.constant 0 : i32
      %dma_wait3A_730 = arith.constant 0 : i32
      %dma_wait3A_731 = tpu.memref_slice %arg6[%dma_wait3A_728, %dma_wait3A_729, %dma_wait3A_730] : memref<6x128x128xf32, #tpu.memory_space<vmem>> -> memref<1x128x128xf32, #tpu.memory_space<vmem>>
      %dma_wait3A_732 = tpu.memref_squeeze %dma_wait3A_731 : memref<1x128x128xf32, #tpu.memory_space<vmem>> -> memref<128x128xf32, #tpu.memory_space<vmem>>
      %dma_wait3A_733 = arith.constant 0 : i32
      %dma_wait3A_734 = tpu.memref_slice %arg4[%sub3A_727, %mul3A_2, %dma_wait3A_733] : memref<50x4096x128xf32, #tpu.memory_space<hbm>> -> memref<1x128x128xf32, #tpu.memory_space<hbm>>
      %dma_wait3A_735 = tpu.memref_squeeze %dma_wait3A_734 : memref<1x128x128xf32, #tpu.memory_space<hbm>> -> memref<128x128xf32, #tpu.memory_space<hbm>>
      %dma_wait3A_736 = arith.constant 0 : i32
      %dma_wait3A_737 = tpu.memref_slice %arg4[%sub3A_727, %mul3A_2, %dma_wait3A_736] : memref<50x4096x128xf32, #tpu.memory_space<hbm>> -> memref<1x128x128xf32, #tpu.memory_space<hbm>>
      %dma_wait3A_738 = tpu.memref_squeeze %dma_wait3A_737 : memref<1x128x128xf32, #tpu.memory_space<hbm>> -> memref<128x128xf32, #tpu.memory_space<hbm>>
      %dma_wait3A_739 = arith.constant 0 : i32
      %dma_wait3A_740 = arith.constant 0 : i32
      %dma_wait3A_741 = tpu.memref_slice %arg6[%dma_wait3A_728, %dma_wait3A_739, %dma_wait3A_740] : memref<6x128x128xf32, #tpu.memory_space<vmem>> -> memref<1x128x128xf32, #tpu.memory_space<vmem>>
      %dma_wait3A_742 = tpu.memref_squeeze %dma_wait3A_741 : memref<1x128x128xf32, #tpu.memory_space<vmem>> -> memref<128x128xf32, #tpu.memory_space<vmem>>
      tpu.wait_dma2 semaphore(%arg17 : memref<!tpu.dma_semaphore, #tpu.memory_space<semaphore_mem>>) src(%dma_wait3A_742 : memref<128x128xf32, #tpu.memory_space<vmem>>) dst(%dma_wait3A_738 : memref<128x128xf32, #tpu.memory_space<hbm>>)
      %add3A_743 = arith.constant 6 : i32
      %add3A_744 = arith.addi %add3A_699, %add3A_743 : i32
      %sub3A_745 = arith.constant 1 : i32
      %sub3A_746 = arith.subi %add3A_744, %sub3A_745 : i32
      %dma_start3A_747 = arith.constant 4 : i32
      %dma_start3A_748 = arith.constant 0 : i32
      %dma_start3A_749 = arith.constant 0 : i32
      %dma_start3A_750 = tpu.memref_slice %arg6[%dma_start3A_747, %dma_start3A_748, %dma_start3A_749] : memref<6x128x128xf32, #tpu.memory_space<vmem>> -> memref<1x128x128xf32, #tpu.memory_space<vmem>>
      %dma_start3A_751 = tpu.memref_squeeze %dma_start3A_750 : memref<1x128x128xf32, #tpu.memory_space<vmem>> -> memref<128x128xf32, #tpu.memory_space<vmem>>
      %dma_start3A_752 = arith.constant 0 : i32
      %dma_start3A_753 = tpu.memref_slice %arg5[%sub3A_746, %dma_start3A_752] : memref<50x128xi32, #tpu.memory_space<vmem>> -> memref<1x128xi32, #tpu.memory_space<vmem>>
      %dma_start3A_754 = tpu.memref_squeeze %dma_start3A_753 : memref<1x128xi32, #tpu.memory_space<vmem>> -> memref<128xi32, #tpu.memory_space<vmem>>
      %dma_start3A_755 = arith.constant 0 : i32
      %dma_start3A_756 = arith.constant 0 : i32
      %dma_start3A_757 = tpu.memref_slice %arg3[%dma_start3A_755, %dma_start3A_756] : memref<100000x128xf32, #tpu.memory_space<hbm>> -> memref<100000x128xf32, #tpu.memory_space<hbm>>
      tpu.enqueue_indirect_dma source(%dma_start3A_757 : memref<100000x128xf32, #tpu.memory_space<hbm>>) target(%dma_start3A_751 : memref<128x128xf32, #tpu.memory_space<vmem>>) offsets(%dma_start3A_754 : memref<128xi32, #tpu.memory_space<vmem>>) semaphore(%arg11 : memref<!tpu.dma_semaphore, #tpu.memory_space<semaphore_mem>>)
      %add3A_758 = arith.constant 5 : i32
      %add3A_759 = arith.addi %add3A_458, %add3A_758 : i32
      %dma_wait3A_760 = arith.constant 0 : i32
      %dma_wait3A_761 = arith.constant 0 : i32
      %dma_wait3A_762 = arith.constant 0 : i32
      %dma_wait3A_763 = tpu.memref_slice %arg6[%dma_wait3A_760, %dma_wait3A_761, %dma_wait3A_762] : memref<6x128x128xf32, #tpu.memory_space<vmem>> -> memref<1x128x128xf32, #tpu.memory_space<vmem>>
      %dma_wait3A_764 = tpu.memref_squeeze %dma_wait3A_763 : memref<1x128x128xf32, #tpu.memory_space<vmem>> -> memref<128x128xf32, #tpu.memory_space<vmem>>
      %dma_wait3A_765 = arith.constant 0 : i32
      %dma_wait3A_766 = tpu.memref_slice %arg5[%add3A_759, %dma_wait3A_765] : memref<50x128xi32, #tpu.memory_space<vmem>> -> memref<1x128xi32, #tpu.memory_space<vmem>>
      %dma_wait3A_767 = tpu.memref_squeeze %dma_wait3A_766 : memref<1x128xi32, #tpu.memory_space<vmem>> -> memref<128xi32, #tpu.memory_space<vmem>>
      %dma_wait3A_768 = arith.constant 0 : i32
      %dma_wait3A_769 = arith.constant 0 : i32
      %dma_wait3A_770 = tpu.memref_slice %arg3[%dma_wait3A_768, %dma_wait3A_769] : memref<100000x128xf32, #tpu.memory_space<hbm>> -> memref<100000x128xf32, #tpu.memory_space<hbm>>
      tpu.wait_indirect_dma semaphore(%arg7 : memref<!tpu.dma_semaphore, #tpu.memory_space<semaphore_mem>>) src(%dma_wait3A_770 : memref<100000x128xf32, #tpu.memory_space<hbm>>) dst(%dma_wait3A_764 : memref<128x128xf32, #tpu.memory_space<vmem>>)
      %dma_start3A_771 = arith.constant 0 : i32
      %dma_start3A_772 = arith.constant 0 : i32
      %dma_start3A_773 = arith.constant 0 : i32
      %dma_start3A_774 = tpu.memref_slice %arg6[%dma_start3A_771, %dma_start3A_772, %dma_start3A_773] : memref<6x128x128xf32, #tpu.memory_space<vmem>> -> memref<1x128x128xf32, #tpu.memory_space<vmem>>
      %dma_start3A_775 = tpu.memref_squeeze %dma_start3A_774 : memref<1x128x128xf32, #tpu.memory_space<vmem>> -> memref<128x128xf32, #tpu.memory_space<vmem>>
      %dma_start3A_776 = arith.constant 0 : i32
      %dma_start3A_777 = tpu.memref_slice %arg4[%add3A_759, %mul3A_2, %dma_start3A_776] : memref<50x4096x128xf32, #tpu.memory_space<hbm>> -> memref<1x128x128xf32, #tpu.memory_space<hbm>>
      %dma_start3A_778 = tpu.memref_squeeze %dma_start3A_777 : memref<1x128x128xf32, #tpu.memory_space<hbm>> -> memref<128x128xf32, #tpu.memory_space<hbm>>
      %dma_start3A_779 = arith.constant 0 : i32
      %dma_start3A_780 = tpu.memref_slice %arg4[%add3A_759, %mul3A_2, %dma_start3A_779] : memref<50x4096x128xf32, #tpu.memory_space<hbm>> -> memref<1x128x128xf32, #tpu.memory_space<hbm>>
      %dma_start3A_781 = tpu.memref_squeeze %dma_start3A_780 : memref<1x128x128xf32, #tpu.memory_space<hbm>> -> memref<128x128xf32, #tpu.memory_space<hbm>>
      %dma_start3A_782 = arith.constant 0 : i32
      %dma_start3A_783 = arith.constant 0 : i32
      %dma_start3A_784 = tpu.memref_slice %arg6[%dma_start3A_771, %dma_start3A_782, %dma_start3A_783] : memref<6x128x128xf32, #tpu.memory_space<vmem>> -> memref<1x128x128xf32, #tpu.memory_space<vmem>>
      %dma_start3A_785 = tpu.memref_squeeze %dma_start3A_784 : memref<1x128x128xf32, #tpu.memory_space<vmem>> -> memref<128x128xf32, #tpu.memory_space<vmem>>
      tpu.enqueue_dma source(%dma_start3A_785 : memref<128x128xf32, #tpu.memory_space<vmem>>) target(%dma_start3A_781 : memref<128x128xf32, #tpu.memory_space<hbm>>) target_semaphore(%arg13 : memref<!tpu.dma_semaphore, #tpu.memory_space<semaphore_mem>>)
      %sub3A_786 = arith.constant 1 : i32
      %sub3A_787 = arith.subi %add3A_759, %sub3A_786 : i32
      %dma_wait3A_788 = arith.constant 5 : i32
      %dma_wait3A_789 = arith.constant 0 : i32
      %dma_wait3A_790 = arith.constant 0 : i32
      %dma_wait3A_791 = tpu.memref_slice %arg6[%dma_wait3A_788, %dma_wait3A_789, %dma_wait3A_790] : memref<6x128x128xf32, #tpu.memory_space<vmem>> -> memref<1x128x128xf32, #tpu.memory_space<vmem>>
      %dma_wait3A_792 = tpu.memref_squeeze %dma_wait3A_791 : memref<1x128x128xf32, #tpu.memory_space<vmem>> -> memref<128x128xf32, #tpu.memory_space<vmem>>
      %dma_wait3A_793 = arith.constant 0 : i32
      %dma_wait3A_794 = tpu.memref_slice %arg4[%sub3A_787, %mul3A_2, %dma_wait3A_793] : memref<50x4096x128xf32, #tpu.memory_space<hbm>> -> memref<1x128x128xf32, #tpu.memory_space<hbm>>
      %dma_wait3A_795 = tpu.memref_squeeze %dma_wait3A_794 : memref<1x128x128xf32, #tpu.memory_space<hbm>> -> memref<128x128xf32, #tpu.memory_space<hbm>>
      %dma_wait3A_796 = arith.constant 0 : i32
      %dma_wait3A_797 = tpu.memref_slice %arg4[%sub3A_787, %mul3A_2, %dma_wait3A_796] : memref<50x4096x128xf32, #tpu.memory_space<hbm>> -> memref<1x128x128xf32, #tpu.memory_space<hbm>>
      %dma_wait3A_798 = tpu.memref_squeeze %dma_wait3A_797 : memref<1x128x128xf32, #tpu.memory_space<hbm>> -> memref<128x128xf32, #tpu.memory_space<hbm>>
      %dma_wait3A_799 = arith.constant 0 : i32
      %dma_wait3A_800 = arith.constant 0 : i32
      %dma_wait3A_801 = tpu.memref_slice %arg6[%dma_wait3A_788, %dma_wait3A_799, %dma_wait3A_800] : memref<6x128x128xf32, #tpu.memory_space<vmem>> -> memref<1x128x128xf32, #tpu.memory_space<vmem>>
      %dma_wait3A_802 = tpu.memref_squeeze %dma_wait3A_801 : memref<1x128x128xf32, #tpu.memory_space<vmem>> -> memref<128x128xf32, #tpu.memory_space<vmem>>
      tpu.wait_dma2 semaphore(%arg18 : memref<!tpu.dma_semaphore, #tpu.memory_space<semaphore_mem>>) src(%dma_wait3A_802 : memref<128x128xf32, #tpu.memory_space<vmem>>) dst(%dma_wait3A_798 : memref<128x128xf32, #tpu.memory_space<hbm>>)
      %add3A_803 = arith.constant 6 : i32
      %add3A_804 = arith.addi %add3A_759, %add3A_803 : i32
      %sub3A_805 = arith.constant 1 : i32
      %sub3A_806 = arith.subi %add3A_804, %sub3A_805 : i32
      %dma_start3A_807 = arith.constant 5 : i32
      %dma_start3A_808 = arith.constant 0 : i32
      %dma_start3A_809 = arith.constant 0 : i32
      %dma_start3A_810 = tpu.memref_slice %arg6[%dma_start3A_807, %dma_start3A_808, %dma_start3A_809] : memref<6x128x128xf32, #tpu.memory_space<vmem>> -> memref<1x128x128xf32, #tpu.memory_space<vmem>>
      %dma_start3A_811 = tpu.memref_squeeze %dma_start3A_810 : memref<1x128x128xf32, #tpu.memory_space<vmem>> -> memref<128x128xf32, #tpu.memory_space<vmem>>
      %dma_start3A_812 = arith.constant 0 : i32
      %dma_start3A_813 = tpu.memref_slice %arg5[%sub3A_806, %dma_start3A_812] : memref<50x128xi32, #tpu.memory_space<vmem>> -> memref<1x128xi32, #tpu.memory_space<vmem>>
      %dma_start3A_814 = tpu.memref_squeeze %dma_start3A_813 : memref<1x128xi32, #tpu.memory_space<vmem>> -> memref<128xi32, #tpu.memory_space<vmem>>
      %dma_start3A_815 = arith.constant 0 : i32
      %dma_start3A_816 = arith.constant 0 : i32
      %dma_start3A_817 = tpu.memref_slice %arg3[%dma_start3A_815, %dma_start3A_816] : memref<100000x128xf32, #tpu.memory_space<hbm>> -> memref<100000x128xf32, #tpu.memory_space<hbm>>
      tpu.enqueue_indirect_dma source(%dma_start3A_817 : memref<100000x128xf32, #tpu.memory_space<hbm>>) target(%dma_start3A_811 : memref<128x128xf32, #tpu.memory_space<vmem>>) offsets(%dma_start3A_814 : memref<128xi32, #tpu.memory_space<vmem>>) semaphore(%arg12 : memref<!tpu.dma_semaphore, #tpu.memory_space<semaphore_mem>>)
    }
    %scan3A_105 = arith.constant 7 : i32
    %dma_wait3A_106 = arith.constant 43 : i32
    %dma_wait3A_107 = arith.constant 1 : i32
    %dma_wait3A_108 = arith.constant 0 : i32
    %dma_wait3A_109 = arith.constant 0 : i32
    %dma_wait3A_110 = tpu.memref_slice %arg6[%dma_wait3A_107, %dma_wait3A_108, %dma_wait3A_109] : memref<6x128x128xf32, #tpu.memory_space<vmem>> -> memref<1x128x128xf32, #tpu.memory_space<vmem>>
    %dma_wait3A_111 = tpu.memref_squeeze %dma_wait3A_110 : memref<1x128x128xf32, #tpu.memory_space<vmem>> -> memref<128x128xf32, #tpu.memory_space<vmem>>
    %dma_wait3A_112 = arith.constant 0 : i32
    %dma_wait3A_113 = tpu.memref_slice %arg5[%dma_wait3A_106, %dma_wait3A_112] : memref<50x128xi32, #tpu.memory_space<vmem>> -> memref<1x128xi32, #tpu.memory_space<vmem>>
    %dma_wait3A_114 = tpu.memref_squeeze %dma_wait3A_113 : memref<1x128xi32, #tpu.memory_space<vmem>> -> memref<128xi32, #tpu.memory_space<vmem>>
    %dma_wait3A_115 = arith.constant 0 : i32
    %dma_wait3A_116 = arith.constant 0 : i32
    %dma_wait3A_117 = tpu.memref_slice %arg3[%dma_wait3A_115, %dma_wait3A_116] : memref<100000x128xf32, #tpu.memory_space<hbm>> -> memref<100000x128xf32, #tpu.memory_space<hbm>>
    tpu.wait_indirect_dma semaphore(%arg8 : memref<!tpu.dma_semaphore, #tpu.memory_space<semaphore_mem>>) src(%dma_wait3A_117 : memref<100000x128xf32, #tpu.memory_space<hbm>>) dst(%dma_wait3A_111 : memref<128x128xf32, #tpu.memory_space<vmem>>)
    %dma_start3A_118 = arith.constant 1 : i32
    %dma_start3A_119 = arith.constant 43 : i32
    %dma_start3A_120 = arith.constant 0 : i32
    %dma_start3A_121 = arith.constant 0 : i32
    %dma_start3A_122 = tpu.memref_slice %arg6[%dma_start3A_118, %dma_start3A_120, %dma_start3A_121] : memref<6x128x128xf32, #tpu.memory_space<vmem>> -> memref<1x128x128xf32, #tpu.memory_space<vmem>>
    %dma_start3A_123 = tpu.memref_squeeze %dma_start3A_122 : memref<1x128x128xf32, #tpu.memory_space<vmem>> -> memref<128x128xf32, #tpu.memory_space<vmem>>
    %dma_start3A_124 = arith.constant 0 : i32
    %dma_start3A_125 = tpu.memref_slice %arg4[%dma_start3A_119, %mul3A_2, %dma_start3A_124] : memref<50x4096x128xf32, #tpu.memory_space<hbm>> -> memref<1x128x128xf32, #tpu.memory_space<hbm>>
    %dma_start3A_126 = tpu.memref_squeeze %dma_start3A_125 : memref<1x128x128xf32, #tpu.memory_space<hbm>> -> memref<128x128xf32, #tpu.memory_space<hbm>>
    %dma_start3A_127 = arith.constant 0 : i32
    %dma_start3A_128 = tpu.memref_slice %arg4[%dma_start3A_119, %mul3A_2, %dma_start3A_127] : memref<50x4096x128xf32, #tpu.memory_space<hbm>> -> memref<1x128x128xf32, #tpu.memory_space<hbm>>
    %dma_start3A_129 = tpu.memref_squeeze %dma_start3A_128 : memref<1x128x128xf32, #tpu.memory_space<hbm>> -> memref<128x128xf32, #tpu.memory_space<hbm>>
    %dma_start3A_130 = arith.constant 0 : i32
    %dma_start3A_131 = arith.constant 0 : i32
    %dma_start3A_132 = tpu.memref_slice %arg6[%dma_start3A_118, %dma_start3A_130, %dma_start3A_131] : memref<6x128x128xf32, #tpu.memory_space<vmem>> -> memref<1x128x128xf32, #tpu.memory_space<vmem>>
    %dma_start3A_133 = tpu.memref_squeeze %dma_start3A_132 : memref<1x128x128xf32, #tpu.memory_space<vmem>> -> memref<128x128xf32, #tpu.memory_space<vmem>>
    tpu.enqueue_dma source(%dma_start3A_133 : memref<128x128xf32, #tpu.memory_space<vmem>>) target(%dma_start3A_129 : memref<128x128xf32, #tpu.memory_space<hbm>>) target_semaphore(%arg14 : memref<!tpu.dma_semaphore, #tpu.memory_space<semaphore_mem>>)
    %dma_wait3A_134 = arith.constant 0 : i32
    %dma_wait3A_135 = arith.constant 42 : i32
    %dma_wait3A_136 = arith.constant 0 : i32
    %dma_wait3A_137 = arith.constant 0 : i32
    %dma_wait3A_138 = tpu.memref_slice %arg6[%dma_wait3A_134, %dma_wait3A_136, %dma_wait3A_137] : memref<6x128x128xf32, #tpu.memory_space<vmem>> -> memref<1x128x128xf32, #tpu.memory_space<vmem>>
    %dma_wait3A_139 = tpu.memref_squeeze %dma_wait3A_138 : memref<1x128x128xf32, #tpu.memory_space<vmem>> -> memref<128x128xf32, #tpu.memory_space<vmem>>
    %dma_wait3A_140 = arith.constant 0 : i32
    %dma_wait3A_141 = tpu.memref_slice %arg4[%dma_wait3A_135, %mul3A_2, %dma_wait3A_140] : memref<50x4096x128xf32, #tpu.memory_space<hbm>> -> memref<1x128x128xf32, #tpu.memory_space<hbm>>
    %dma_wait3A_142 = tpu.memref_squeeze %dma_wait3A_141 : memref<1x128x128xf32, #tpu.memory_space<hbm>> -> memref<128x128xf32, #tpu.memory_space<hbm>>
    %dma_wait3A_143 = arith.constant 0 : i32
    %dma_wait3A_144 = tpu.memref_slice %arg4[%dma_wait3A_135, %mul3A_2, %dma_wait3A_143] : memref<50x4096x128xf32, #tpu.memory_space<hbm>> -> memref<1x128x128xf32, #tpu.memory_space<hbm>>
    %dma_wait3A_145 = tpu.memref_squeeze %dma_wait3A_144 : memref<1x128x128xf32, #tpu.memory_space<hbm>> -> memref<128x128xf32, #tpu.memory_space<hbm>>
    %dma_wait3A_146 = arith.constant 0 : i32
    %dma_wait3A_147 = arith.constant 0 : i32
    %dma_wait3A_148 = tpu.memref_slice %arg6[%dma_wait3A_134, %dma_wait3A_146, %dma_wait3A_147] : memref<6x128x128xf32, #tpu.memory_space<vmem>> -> memref<1x128x128xf32, #tpu.memory_space<vmem>>
    %dma_wait3A_149 = tpu.memref_squeeze %dma_wait3A_148 : memref<1x128x128xf32, #tpu.memory_space<vmem>> -> memref<128x128xf32, #tpu.memory_space<vmem>>
    tpu.wait_dma2 semaphore(%arg13 : memref<!tpu.dma_semaphore, #tpu.memory_space<semaphore_mem>>) src(%dma_wait3A_149 : memref<128x128xf32, #tpu.memory_space<vmem>>) dst(%dma_wait3A_145 : memref<128x128xf32, #tpu.memory_space<hbm>>)
    %dma_start3A_150 = arith.constant 48 : i32
    %dma_start3A_151 = arith.constant 0 : i32
    %dma_start3A_152 = arith.constant 0 : i32
    %dma_start3A_153 = arith.constant 0 : i32
    %dma_start3A_154 = tpu.memref_slice %arg6[%dma_start3A_151, %dma_start3A_152, %dma_start3A_153] : memref<6x128x128xf32, #tpu.memory_space<vmem>> -> memref<1x128x128xf32, #tpu.memory_space<vmem>>
    %dma_start3A_155 = tpu.memref_squeeze %dma_start3A_154 : memref<1x128x128xf32, #tpu.memory_space<vmem>> -> memref<128x128xf32, #tpu.memory_space<vmem>>
    %dma_start3A_156 = arith.constant 0 : i32
    %dma_start3A_157 = tpu.memref_slice %arg5[%dma_start3A_150, %dma_start3A_156] : memref<50x128xi32, #tpu.memory_space<vmem>> -> memref<1x128xi32, #tpu.memory_space<vmem>>
    %dma_start3A_158 = tpu.memref_squeeze %dma_start3A_157 : memref<1x128xi32, #tpu.memory_space<vmem>> -> memref<128xi32, #tpu.memory_space<vmem>>
    %dma_start3A_159 = arith.constant 0 : i32
    %dma_start3A_160 = arith.constant 0 : i32
    %dma_start3A_161 = tpu.memref_slice %arg3[%dma_start3A_159, %dma_start3A_160] : memref<100000x128xf32, #tpu.memory_space<hbm>> -> memref<100000x128xf32, #tpu.memory_space<hbm>>
    tpu.enqueue_indirect_dma source(%dma_start3A_161 : memref<100000x128xf32, #tpu.memory_space<hbm>>) target(%dma_start3A_155 : memref<128x128xf32, #tpu.memory_space<vmem>>) offsets(%dma_start3A_158 : memref<128xi32, #tpu.memory_space<vmem>>) semaphore(%arg7 : memref<!tpu.dma_semaphore, #tpu.memory_space<semaphore_mem>>)
    %dma_wait3A_162 = arith.constant 44 : i32
    %dma_wait3A_163 = arith.constant 2 : i32
    %dma_wait3A_164 = arith.constant 0 : i32
    %dma_wait3A_165 = arith.constant 0 : i32
    %dma_wait3A_166 = tpu.memref_slice %arg6[%dma_wait3A_163, %dma_wait3A_164, %dma_wait3A_165] : memref<6x128x128xf32, #tpu.memory_space<vmem>> -> memref<1x128x128xf32, #tpu.memory_space<vmem>>
    %dma_wait3A_167 = tpu.memref_squeeze %dma_wait3A_166 : memref<1x128x128xf32, #tpu.memory_space<vmem>> -> memref<128x128xf32, #tpu.memory_space<vmem>>
    %dma_wait3A_168 = arith.constant 0 : i32
    %dma_wait3A_169 = tpu.memref_slice %arg5[%dma_wait3A_162, %dma_wait3A_168] : memref<50x128xi32, #tpu.memory_space<vmem>> -> memref<1x128xi32, #tpu.memory_space<vmem>>
    %dma_wait3A_170 = tpu.memref_squeeze %dma_wait3A_169 : memref<1x128xi32, #tpu.memory_space<vmem>> -> memref<128xi32, #tpu.memory_space<vmem>>
    %dma_wait3A_171 = arith.constant 0 : i32
    %dma_wait3A_172 = arith.constant 0 : i32
    %dma_wait3A_173 = tpu.memref_slice %arg3[%dma_wait3A_171, %dma_wait3A_172] : memref<100000x128xf32, #tpu.memory_space<hbm>> -> memref<100000x128xf32, #tpu.memory_space<hbm>>
    tpu.wait_indirect_dma semaphore(%arg9 : memref<!tpu.dma_semaphore, #tpu.memory_space<semaphore_mem>>) src(%dma_wait3A_173 : memref<100000x128xf32, #tpu.memory_space<hbm>>) dst(%dma_wait3A_167 : memref<128x128xf32, #tpu.memory_space<vmem>>)
    %dma_start3A_174 = arith.constant 2 : i32
    %dma_start3A_175 = arith.constant 44 : i32
    %dma_start3A_176 = arith.constant 0 : i32
    %dma_start3A_177 = arith.constant 0 : i32
    %dma_start3A_178 = tpu.memref_slice %arg6[%dma_start3A_174, %dma_start3A_176, %dma_start3A_177] : memref<6x128x128xf32, #tpu.memory_space<vmem>> -> memref<1x128x128xf32, #tpu.memory_space<vmem>>
    %dma_start3A_179 = tpu.memref_squeeze %dma_start3A_178 : memref<1x128x128xf32, #tpu.memory_space<vmem>> -> memref<128x128xf32, #tpu.memory_space<vmem>>
    %dma_start3A_180 = arith.constant 0 : i32
    %dma_start3A_181 = tpu.memref_slice %arg4[%dma_start3A_175, %mul3A_2, %dma_start3A_180] : memref<50x4096x128xf32, #tpu.memory_space<hbm>> -> memref<1x128x128xf32, #tpu.memory_space<hbm>>
    %dma_start3A_182 = tpu.memref_squeeze %dma_start3A_181 : memref<1x128x128xf32, #tpu.memory_space<hbm>> -> memref<128x128xf32, #tpu.memory_space<hbm>>
    %dma_start3A_183 = arith.constant 0 : i32
    %dma_start3A_184 = tpu.memref_slice %arg4[%dma_start3A_175, %mul3A_2, %dma_start3A_183] : memref<50x4096x128xf32, #tpu.memory_space<hbm>> -> memref<1x128x128xf32, #tpu.memory_space<hbm>>
    %dma_start3A_185 = tpu.memref_squeeze %dma_start3A_184 : memref<1x128x128xf32, #tpu.memory_space<hbm>> -> memref<128x128xf32, #tpu.memory_space<hbm>>
    %dma_start3A_186 = arith.constant 0 : i32
    %dma_start3A_187 = arith.constant 0 : i32
    %dma_start3A_188 = tpu.memref_slice %arg6[%dma_start3A_174, %dma_start3A_186, %dma_start3A_187] : memref<6x128x128xf32, #tpu.memory_space<vmem>> -> memref<1x128x128xf32, #tpu.memory_space<vmem>>
    %dma_start3A_189 = tpu.memref_squeeze %dma_start3A_188 : memref<1x128x128xf32, #tpu.memory_space<vmem>> -> memref<128x128xf32, #tpu.memory_space<vmem>>
    tpu.enqueue_dma source(%dma_start3A_189 : memref<128x128xf32, #tpu.memory_space<vmem>>) target(%dma_start3A_185 : memref<128x128xf32, #tpu.memory_space<hbm>>) target_semaphore(%arg15 : memref<!tpu.dma_semaphore, #tpu.memory_space<semaphore_mem>>)
    %dma_wait3A_190 = arith.constant 1 : i32
    %dma_wait3A_191 = arith.constant 43 : i32
    %dma_wait3A_192 = arith.constant 0 : i32
    %dma_wait3A_193 = arith.constant 0 : i32
    %dma_wait3A_194 = tpu.memref_slice %arg6[%dma_wait3A_190, %dma_wait3A_192, %dma_wait3A_193] : memref<6x128x128xf32, #tpu.memory_space<vmem>> -> memref<1x128x128xf32, #tpu.memory_space<vmem>>
    %dma_wait3A_195 = tpu.memref_squeeze %dma_wait3A_194 : memref<1x128x128xf32, #tpu.memory_space<vmem>> -> memref<128x128xf32, #tpu.memory_space<vmem>>
    %dma_wait3A_196 = arith.constant 0 : i32
    %dma_wait3A_197 = tpu.memref_slice %arg4[%dma_wait3A_191, %mul3A_2, %dma_wait3A_196] : memref<50x4096x128xf32, #tpu.memory_space<hbm>> -> memref<1x128x128xf32, #tpu.memory_space<hbm>>
    %dma_wait3A_198 = tpu.memref_squeeze %dma_wait3A_197 : memref<1x128x128xf32, #tpu.memory_space<hbm>> -> memref<128x128xf32, #tpu.memory_space<hbm>>
    %dma_wait3A_199 = arith.constant 0 : i32
    %dma_wait3A_200 = tpu.memref_slice %arg4[%dma_wait3A_191, %mul3A_2, %dma_wait3A_199] : memref<50x4096x128xf32, #tpu.memory_space<hbm>> -> memref<1x128x128xf32, #tpu.memory_space<hbm>>
    %dma_wait3A_201 = tpu.memref_squeeze %dma_wait3A_200 : memref<1x128x128xf32, #tpu.memory_space<hbm>> -> memref<128x128xf32, #tpu.memory_space<hbm>>
    %dma_wait3A_202 = arith.constant 0 : i32
    %dma_wait3A_203 = arith.constant 0 : i32
    %dma_wait3A_204 = tpu.memref_slice %arg6[%dma_wait3A_190, %dma_wait3A_202, %dma_wait3A_203] : memref<6x128x128xf32, #tpu.memory_space<vmem>> -> memref<1x128x128xf32, #tpu.memory_space<vmem>>
    %dma_wait3A_205 = tpu.memref_squeeze %dma_wait3A_204 : memref<1x128x128xf32, #tpu.memory_space<vmem>> -> memref<128x128xf32, #tpu.memory_space<vmem>>
    tpu.wait_dma2 semaphore(%arg14 : memref<!tpu.dma_semaphore, #tpu.memory_space<semaphore_mem>>) src(%dma_wait3A_205 : memref<128x128xf32, #tpu.memory_space<vmem>>) dst(%dma_wait3A_201 : memref<128x128xf32, #tpu.memory_space<hbm>>)
    %dma_start3A_206 = arith.constant 49 : i32
    %dma_start3A_207 = arith.constant 1 : i32
    %dma_start3A_208 = arith.constant 0 : i32
    %dma_start3A_209 = arith.constant 0 : i32
    %dma_start3A_210 = tpu.memref_slice %arg6[%dma_start3A_207, %dma_start3A_208, %dma_start3A_209] : memref<6x128x128xf32, #tpu.memory_space<vmem>> -> memref<1x128x128xf32, #tpu.memory_space<vmem>>
    %dma_start3A_211 = tpu.memref_squeeze %dma_start3A_210 : memref<1x128x128xf32, #tpu.memory_space<vmem>> -> memref<128x128xf32, #tpu.memory_space<vmem>>
    %dma_start3A_212 = arith.constant 0 : i32
    %dma_start3A_213 = tpu.memref_slice %arg5[%dma_start3A_206, %dma_start3A_212] : memref<50x128xi32, #tpu.memory_space<vmem>> -> memref<1x128xi32, #tpu.memory_space<vmem>>
    %dma_start3A_214 = tpu.memref_squeeze %dma_start3A_213 : memref<1x128xi32, #tpu.memory_space<vmem>> -> memref<128xi32, #tpu.memory_space<vmem>>
    %dma_start3A_215 = arith.constant 0 : i32
    %dma_start3A_216 = arith.constant 0 : i32
    %dma_start3A_217 = tpu.memref_slice %arg3[%dma_start3A_215, %dma_start3A_216] : memref<100000x128xf32, #tpu.memory_space<hbm>> -> memref<100000x128xf32, #tpu.memory_space<hbm>>
    tpu.enqueue_indirect_dma source(%dma_start3A_217 : memref<100000x128xf32, #tpu.memory_space<hbm>>) target(%dma_start3A_211 : memref<128x128xf32, #tpu.memory_space<vmem>>) offsets(%dma_start3A_214 : memref<128xi32, #tpu.memory_space<vmem>>) semaphore(%arg8 : memref<!tpu.dma_semaphore, #tpu.memory_space<semaphore_mem>>)
    %dma_wait3A_218 = arith.constant 45 : i32
    %dma_wait3A_219 = arith.constant 3 : i32
    %dma_wait3A_220 = arith.constant 0 : i32
    %dma_wait3A_221 = arith.constant 0 : i32
    %dma_wait3A_222 = tpu.memref_slice %arg6[%dma_wait3A_219, %dma_wait3A_220, %dma_wait3A_221] : memref<6x128x128xf32, #tpu.memory_space<vmem>> -> memref<1x128x128xf32, #tpu.memory_space<vmem>>
    %dma_wait3A_223 = tpu.memref_squeeze %dma_wait3A_222 : memref<1x128x128xf32, #tpu.memory_space<vmem>> -> memref<128x128xf32, #tpu.memory_space<vmem>>
    %dma_wait3A_224 = arith.constant 0 : i32
    %dma_wait3A_225 = tpu.memref_slice %arg5[%dma_wait3A_218, %dma_wait3A_224] : memref<50x128xi32, #tpu.memory_space<vmem>> -> memref<1x128xi32, #tpu.memory_space<vmem>>
    %dma_wait3A_226 = tpu.memref_squeeze %dma_wait3A_225 : memref<1x128xi32, #tpu.memory_space<vmem>> -> memref<128xi32, #tpu.memory_space<vmem>>
    %dma_wait3A_227 = arith.constant 0 : i32
    %dma_wait3A_228 = arith.constant 0 : i32
    %dma_wait3A_229 = tpu.memref_slice %arg3[%dma_wait3A_227, %dma_wait3A_228] : memref<100000x128xf32, #tpu.memory_space<hbm>> -> memref<100000x128xf32, #tpu.memory_space<hbm>>
    tpu.wait_indirect_dma semaphore(%arg10 : memref<!tpu.dma_semaphore, #tpu.memory_space<semaphore_mem>>) src(%dma_wait3A_229 : memref<100000x128xf32, #tpu.memory_space<hbm>>) dst(%dma_wait3A_223 : memref<128x128xf32, #tpu.memory_space<vmem>>)
    %dma_start3A_230 = arith.constant 3 : i32
    %dma_start3A_231 = arith.constant 45 : i32
    %dma_start3A_232 = arith.constant 0 : i32
    %dma_start3A_233 = arith.constant 0 : i32
    %dma_start3A_234 = tpu.memref_slice %arg6[%dma_start3A_230, %dma_start3A_232, %dma_start3A_233] : memref<6x128x128xf32, #tpu.memory_space<vmem>> -> memref<1x128x128xf32, #tpu.memory_space<vmem>>
    %dma_start3A_235 = tpu.memref_squeeze %dma_start3A_234 : memref<1x128x128xf32, #tpu.memory_space<vmem>> -> memref<128x128xf32, #tpu.memory_space<vmem>>
    %dma_start3A_236 = arith.constant 0 : i32
    %dma_start3A_237 = tpu.memref_slice %arg4[%dma_start3A_231, %mul3A_2, %dma_start3A_236] : memref<50x4096x128xf32, #tpu.memory_space<hbm>> -> memref<1x128x128xf32, #tpu.memory_space<hbm>>
    %dma_start3A_238 = tpu.memref_squeeze %dma_start3A_237 : memref<1x128x128xf32, #tpu.memory_space<hbm>> -> memref<128x128xf32, #tpu.memory_space<hbm>>
    %dma_start3A_239 = arith.constant 0 : i32
    %dma_start3A_240 = tpu.memref_slice %arg4[%dma_start3A_231, %mul3A_2, %dma_start3A_239] : memref<50x4096x128xf32, #tpu.memory_space<hbm>> -> memref<1x128x128xf32, #tpu.memory_space<hbm>>
    %dma_start3A_241 = tpu.memref_squeeze %dma_start3A_240 : memref<1x128x128xf32, #tpu.memory_space<hbm>> -> memref<128x128xf32, #tpu.memory_space<hbm>>
    %dma_start3A_242 = arith.constant 0 : i32
    %dma_start3A_243 = arith.constant 0 : i32
    %dma_start3A_244 = tpu.memref_slice %arg6[%dma_start3A_230, %dma_start3A_242, %dma_start3A_243] : memref<6x128x128xf32, #tpu.memory_space<vmem>> -> memref<1x128x128xf32, #tpu.memory_space<vmem>>
    %dma_start3A_245 = tpu.memref_squeeze %dma_start3A_244 : memref<1x128x128xf32, #tpu.memory_space<vmem>> -> memref<128x128xf32, #tpu.memory_space<vmem>>
    tpu.enqueue_dma source(%dma_start3A_245 : memref<128x128xf32, #tpu.memory_space<vmem>>) target(%dma_start3A_241 : memref<128x128xf32, #tpu.memory_space<hbm>>) target_semaphore(%arg16 : memref<!tpu.dma_semaphore, #tpu.memory_space<semaphore_mem>>)
    %dma_wait3A_246 = arith.constant 46 : i32
    %dma_wait3A_247 = arith.constant 4 : i32
    %dma_wait3A_248 = arith.constant 0 : i32
    %dma_wait3A_249 = arith.constant 0 : i32
    %dma_wait3A_250 = tpu.memref_slice %arg6[%dma_wait3A_247, %dma_wait3A_248, %dma_wait3A_249] : memref<6x128x128xf32, #tpu.memory_space<vmem>> -> memref<1x128x128xf32, #tpu.memory_space<vmem>>
    %dma_wait3A_251 = tpu.memref_squeeze %dma_wait3A_250 : memref<1x128x128xf32, #tpu.memory_space<vmem>> -> memref<128x128xf32, #tpu.memory_space<vmem>>
    %dma_wait3A_252 = arith.constant 0 : i32
    %dma_wait3A_253 = tpu.memref_slice %arg5[%dma_wait3A_246, %dma_wait3A_252] : memref<50x128xi32, #tpu.memory_space<vmem>> -> memref<1x128xi32, #tpu.memory_space<vmem>>
    %dma_wait3A_254 = tpu.memref_squeeze %dma_wait3A_253 : memref<1x128xi32, #tpu.memory_space<vmem>> -> memref<128xi32, #tpu.memory_space<vmem>>
    %dma_wait3A_255 = arith.constant 0 : i32
    %dma_wait3A_256 = arith.constant 0 : i32
    %dma_wait3A_257 = tpu.memref_slice %arg3[%dma_wait3A_255, %dma_wait3A_256] : memref<100000x128xf32, #tpu.memory_space<hbm>> -> memref<100000x128xf32, #tpu.memory_space<hbm>>
    tpu.wait_indirect_dma semaphore(%arg11 : memref<!tpu.dma_semaphore, #tpu.memory_space<semaphore_mem>>) src(%dma_wait3A_257 : memref<100000x128xf32, #tpu.memory_space<hbm>>) dst(%dma_wait3A_251 : memref<128x128xf32, #tpu.memory_space<vmem>>)
    %dma_start3A_258 = arith.constant 4 : i32
    %dma_start3A_259 = arith.constant 46 : i32
    %dma_start3A_260 = arith.constant 0 : i32
    %dma_start3A_261 = arith.constant 0 : i32
    %dma_start3A_262 = tpu.memref_slice %arg6[%dma_start3A_258, %dma_start3A_260, %dma_start3A_261] : memref<6x128x128xf32, #tpu.memory_space<vmem>> -> memref<1x128x128xf32, #tpu.memory_space<vmem>>
    %dma_start3A_263 = tpu.memref_squeeze %dma_start3A_262 : memref<1x128x128xf32, #tpu.memory_space<vmem>> -> memref<128x128xf32, #tpu.memory_space<vmem>>
    %dma_start3A_264 = arith.constant 0 : i32
    %dma_start3A_265 = tpu.memref_slice %arg4[%dma_start3A_259, %mul3A_2, %dma_start3A_264] : memref<50x4096x128xf32, #tpu.memory_space<hbm>> -> memref<1x128x128xf32, #tpu.memory_space<hbm>>
    %dma_start3A_266 = tpu.memref_squeeze %dma_start3A_265 : memref<1x128x128xf32, #tpu.memory_space<hbm>> -> memref<128x128xf32, #tpu.memory_space<hbm>>
    %dma_start3A_267 = arith.constant 0 : i32
    %dma_start3A_268 = tpu.memref_slice %arg4[%dma_start3A_259, %mul3A_2, %dma_start3A_267] : memref<50x4096x128xf32, #tpu.memory_space<hbm>> -> memref<1x128x128xf32, #tpu.memory_space<hbm>>
    %dma_start3A_269 = tpu.memref_squeeze %dma_start3A_268 : memref<1x128x128xf32, #tpu.memory_space<hbm>> -> memref<128x128xf32, #tpu.memory_space<hbm>>
    %dma_start3A_270 = arith.constant 0 : i32
    %dma_start3A_271 = arith.constant 0 : i32
    %dma_start3A_272 = tpu.memref_slice %arg6[%dma_start3A_258, %dma_start3A_270, %dma_start3A_271] : memref<6x128x128xf32, #tpu.memory_space<vmem>> -> memref<1x128x128xf32, #tpu.memory_space<vmem>>
    %dma_start3A_273 = tpu.memref_squeeze %dma_start3A_272 : memref<1x128x128xf32, #tpu.memory_space<vmem>> -> memref<128x128xf32, #tpu.memory_space<vmem>>
    tpu.enqueue_dma source(%dma_start3A_273 : memref<128x128xf32, #tpu.memory_space<vmem>>) target(%dma_start3A_269 : memref<128x128xf32, #tpu.memory_space<hbm>>) target_semaphore(%arg17 : memref<!tpu.dma_semaphore, #tpu.memory_space<semaphore_mem>>)
    %dma_wait3A_274 = arith.constant 47 : i32
    %dma_wait3A_275 = arith.constant 5 : i32
    %dma_wait3A_276 = arith.constant 0 : i32
    %dma_wait3A_277 = arith.constant 0 : i32
    %dma_wait3A_278 = tpu.memref_slice %arg6[%dma_wait3A_275, %dma_wait3A_276, %dma_wait3A_277] : memref<6x128x128xf32, #tpu.memory_space<vmem>> -> memref<1x128x128xf32, #tpu.memory_space<vmem>>
    %dma_wait3A_279 = tpu.memref_squeeze %dma_wait3A_278 : memref<1x128x128xf32, #tpu.memory_space<vmem>> -> memref<128x128xf32, #tpu.memory_space<vmem>>
    %dma_wait3A_280 = arith.constant 0 : i32
    %dma_wait3A_281 = tpu.memref_slice %arg5[%dma_wait3A_274, %dma_wait3A_280] : memref<50x128xi32, #tpu.memory_space<vmem>> -> memref<1x128xi32, #tpu.memory_space<vmem>>
    %dma_wait3A_282 = tpu.memref_squeeze %dma_wait3A_281 : memref<1x128xi32, #tpu.memory_space<vmem>> -> memref<128xi32, #tpu.memory_space<vmem>>
    %dma_wait3A_283 = arith.constant 0 : i32
    %dma_wait3A_284 = arith.constant 0 : i32
    %dma_wait3A_285 = tpu.memref_slice %arg3[%dma_wait3A_283, %dma_wait3A_284] : memref<100000x128xf32, #tpu.memory_space<hbm>> -> memref<100000x128xf32, #tpu.memory_space<hbm>>
    tpu.wait_indirect_dma semaphore(%arg12 : memref<!tpu.dma_semaphore, #tpu.memory_space<semaphore_mem>>) src(%dma_wait3A_285 : memref<100000x128xf32, #tpu.memory_space<hbm>>) dst(%dma_wait3A_279 : memref<128x128xf32, #tpu.memory_space<vmem>>)
    %dma_start3A_286 = arith.constant 5 : i32
    %dma_start3A_287 = arith.constant 47 : i32
    %dma_start3A_288 = arith.constant 0 : i32
    %dma_start3A_289 = arith.constant 0 : i32
    %dma_start3A_290 = tpu.memref_slice %arg6[%dma_start3A_286, %dma_start3A_288, %dma_start3A_289] : memref<6x128x128xf32, #tpu.memory_space<vmem>> -> memref<1x128x128xf32, #tpu.memory_space<vmem>>
    %dma_start3A_291 = tpu.memref_squeeze %dma_start3A_290 : memref<1x128x128xf32, #tpu.memory_space<vmem>> -> memref<128x128xf32, #tpu.memory_space<vmem>>
    %dma_start3A_292 = arith.constant 0 : i32
    %dma_start3A_293 = tpu.memref_slice %arg4[%dma_start3A_287, %mul3A_2, %dma_start3A_292] : memref<50x4096x128xf32, #tpu.memory_space<hbm>> -> memref<1x128x128xf32, #tpu.memory_space<hbm>>
    %dma_start3A_294 = tpu.memref_squeeze %dma_start3A_293 : memref<1x128x128xf32, #tpu.memory_space<hbm>> -> memref<128x128xf32, #tpu.memory_space<hbm>>
    %dma_start3A_295 = arith.constant 0 : i32
    %dma_start3A_296 = tpu.memref_slice %arg4[%dma_start3A_287, %mul3A_2, %dma_start3A_295] : memref<50x4096x128xf32, #tpu.memory_space<hbm>> -> memref<1x128x128xf32, #tpu.memory_space<hbm>>
    %dma_start3A_297 = tpu.memref_squeeze %dma_start3A_296 : memref<1x128x128xf32, #tpu.memory_space<hbm>> -> memref<128x128xf32, #tpu.memory_space<hbm>>
    %dma_start3A_298 = arith.constant 0 : i32
    %dma_start3A_299 = arith.constant 0 : i32
    %dma_start3A_300 = tpu.memref_slice %arg6[%dma_start3A_286, %dma_start3A_298, %dma_start3A_299] : memref<6x128x128xf32, #tpu.memory_space<vmem>> -> memref<1x128x128xf32, #tpu.memory_space<vmem>>
    %dma_start3A_301 = tpu.memref_squeeze %dma_start3A_300 : memref<1x128x128xf32, #tpu.memory_space<vmem>> -> memref<128x128xf32, #tpu.memory_space<vmem>>
    tpu.enqueue_dma source(%dma_start3A_301 : memref<128x128xf32, #tpu.memory_space<vmem>>) target(%dma_start3A_297 : memref<128x128xf32, #tpu.memory_space<hbm>>) target_semaphore(%arg18 : memref<!tpu.dma_semaphore, #tpu.memory_space<semaphore_mem>>)
    %dma_wait3A_302 = arith.constant 48 : i32
    %dma_wait3A_303 = arith.constant 0 : i32
    %dma_wait3A_304 = arith.constant 0 : i32
    %dma_wait3A_305 = arith.constant 0 : i32
    %dma_wait3A_306 = tpu.memref_slice %arg6[%dma_wait3A_303, %dma_wait3A_304, %dma_wait3A_305] : memref<6x128x128xf32, #tpu.memory_space<vmem>> -> memref<1x128x128xf32, #tpu.memory_space<vmem>>
    %dma_wait3A_307 = tpu.memref_squeeze %dma_wait3A_306 : memref<1x128x128xf32, #tpu.memory_space<vmem>> -> memref<128x128xf32, #tpu.memory_space<vmem>>
    %dma_wait3A_308 = arith.constant 0 : i32
    %dma_wait3A_309 = tpu.memref_slice %arg5[%dma_wait3A_302, %dma_wait3A_308] : memref<50x128xi32, #tpu.memory_space<vmem>> -> memref<1x128xi32, #tpu.memory_space<vmem>>
    %dma_wait3A_310 = tpu.memref_squeeze %dma_wait3A_309 : memref<1x128xi32, #tpu.memory_space<vmem>> -> memref<128xi32, #tpu.memory_space<vmem>>
    %dma_wait3A_311 = arith.constant 0 : i32
    %dma_wait3A_312 = arith.constant 0 : i32
    %dma_wait3A_313 = tpu.memref_slice %arg3[%dma_wait3A_311, %dma_wait3A_312] : memref<100000x128xf32, #tpu.memory_space<hbm>> -> memref<100000x128xf32, #tpu.memory_space<hbm>>
    tpu.wait_indirect_dma semaphore(%arg7 : memref<!tpu.dma_semaphore, #tpu.memory_space<semaphore_mem>>) src(%dma_wait3A_313 : memref<100000x128xf32, #tpu.memory_space<hbm>>) dst(%dma_wait3A_307 : memref<128x128xf32, #tpu.memory_space<vmem>>)
    %dma_start3A_314 = arith.constant 0 : i32
    %dma_start3A_315 = arith.constant 48 : i32
    %dma_start3A_316 = arith.constant 0 : i32
    %dma_start3A_317 = arith.constant 0 : i32
    %dma_start3A_318 = tpu.memref_slice %arg6[%dma_start3A_314, %dma_start3A_316, %dma_start3A_317] : memref<6x128x128xf32, #tpu.memory_space<vmem>> -> memref<1x128x128xf32, #tpu.memory_space<vmem>>
    %dma_start3A_319 = tpu.memref_squeeze %dma_start3A_318 : memref<1x128x128xf32, #tpu.memory_space<vmem>> -> memref<128x128xf32, #tpu.memory_space<vmem>>
    %dma_start3A_320 = arith.constant 0 : i32
    %dma_start3A_321 = tpu.memref_slice %arg4[%dma_start3A_315, %mul3A_2, %dma_start3A_320] : memref<50x4096x128xf32, #tpu.memory_space<hbm>> -> memref<1x128x128xf32, #tpu.memory_space<hbm>>
    %dma_start3A_322 = tpu.memref_squeeze %dma_start3A_321 : memref<1x128x128xf32, #tpu.memory_space<hbm>> -> memref<128x128xf32, #tpu.memory_space<hbm>>
    %dma_start3A_323 = arith.constant 0 : i32
    %dma_start3A_324 = tpu.memref_slice %arg4[%dma_start3A_315, %mul3A_2, %dma_start3A_323] : memref<50x4096x128xf32, #tpu.memory_space<hbm>> -> memref<1x128x128xf32, #tpu.memory_space<hbm>>
    %dma_start3A_325 = tpu.memref_squeeze %dma_start3A_324 : memref<1x128x128xf32, #tpu.memory_space<hbm>> -> memref<128x128xf32, #tpu.memory_space<hbm>>
    %dma_start3A_326 = arith.constant 0 : i32
    %dma_start3A_327 = arith.constant 0 : i32
    %dma_start3A_328 = tpu.memref_slice %arg6[%dma_start3A_314, %dma_start3A_326, %dma_start3A_327] : memref<6x128x128xf32, #tpu.memory_space<vmem>> -> memref<1x128x128xf32, #tpu.memory_space<vmem>>
    %dma_start3A_329 = tpu.memref_squeeze %dma_start3A_328 : memref<1x128x128xf32, #tpu.memory_space<vmem>> -> memref<128x128xf32, #tpu.memory_space<vmem>>
    tpu.enqueue_dma source(%dma_start3A_329 : memref<128x128xf32, #tpu.memory_space<vmem>>) target(%dma_start3A_325 : memref<128x128xf32, #tpu.memory_space<hbm>>) target_semaphore(%arg13 : memref<!tpu.dma_semaphore, #tpu.memory_space<semaphore_mem>>)
    %dma_wait3A_330 = arith.constant 49 : i32
    %dma_wait3A_331 = arith.constant 1 : i32
    %dma_wait3A_332 = arith.constant 0 : i32
    %dma_wait3A_333 = arith.constant 0 : i32
    %dma_wait3A_334 = tpu.memref_slice %arg6[%dma_wait3A_331, %dma_wait3A_332, %dma_wait3A_333] : memref<6x128x128xf32, #tpu.memory_space<vmem>> -> memref<1x128x128xf32, #tpu.memory_space<vmem>>
    %dma_wait3A_335 = tpu.memref_squeeze %dma_wait3A_334 : memref<1x128x128xf32, #tpu.memory_space<vmem>> -> memref<128x128xf32, #tpu.memory_space<vmem>>
    %dma_wait3A_336 = arith.constant 0 : i32
    %dma_wait3A_337 = tpu.memref_slice %arg5[%dma_wait3A_330, %dma_wait3A_336] : memref<50x128xi32, #tpu.memory_space<vmem>> -> memref<1x128xi32, #tpu.memory_space<vmem>>
    %dma_wait3A_338 = tpu.memref_squeeze %dma_wait3A_337 : memref<1x128xi32, #tpu.memory_space<vmem>> -> memref<128xi32, #tpu.memory_space<vmem>>
    %dma_wait3A_339 = arith.constant 0 : i32
    %dma_wait3A_340 = arith.constant 0 : i32
    %dma_wait3A_341 = tpu.memref_slice %arg3[%dma_wait3A_339, %dma_wait3A_340] : memref<100000x128xf32, #tpu.memory_space<hbm>> -> memref<100000x128xf32, #tpu.memory_space<hbm>>
    tpu.wait_indirect_dma semaphore(%arg8 : memref<!tpu.dma_semaphore, #tpu.memory_space<semaphore_mem>>) src(%dma_wait3A_341 : memref<100000x128xf32, #tpu.memory_space<hbm>>) dst(%dma_wait3A_335 : memref<128x128xf32, #tpu.memory_space<vmem>>)
    %dma_start3A_342 = arith.constant 1 : i32
    %dma_start3A_343 = arith.constant 49 : i32
    %dma_start3A_344 = arith.constant 0 : i32
    %dma_start3A_345 = arith.constant 0 : i32
    %dma_start3A_346 = tpu.memref_slice %arg6[%dma_start3A_342, %dma_start3A_344, %dma_start3A_345] : memref<6x128x128xf32, #tpu.memory_space<vmem>> -> memref<1x128x128xf32, #tpu.memory_space<vmem>>
    %dma_start3A_347 = tpu.memref_squeeze %dma_start3A_346 : memref<1x128x128xf32, #tpu.memory_space<vmem>> -> memref<128x128xf32, #tpu.memory_space<vmem>>
    %dma_start3A_348 = arith.constant 0 : i32
    %dma_start3A_349 = tpu.memref_slice %arg4[%dma_start3A_343, %mul3A_2, %dma_start3A_348] : memref<50x4096x128xf32, #tpu.memory_space<hbm>> -> memref<1x128x128xf32, #tpu.memory_space<hbm>>
    %dma_start3A_350 = tpu.memref_squeeze %dma_start3A_349 : memref<1x128x128xf32, #tpu.memory_space<hbm>> -> memref<128x128xf32, #tpu.memory_space<hbm>>
    %dma_start3A_351 = arith.constant 0 : i32
    %dma_start3A_352 = tpu.memref_slice %arg4[%dma_start3A_343, %mul3A_2, %dma_start3A_351] : memref<50x4096x128xf32, #tpu.memory_space<hbm>> -> memref<1x128x128xf32, #tpu.memory_space<hbm>>
    %dma_start3A_353 = tpu.memref_squeeze %dma_start3A_352 : memref<1x128x128xf32, #tpu.memory_space<hbm>> -> memref<128x128xf32, #tpu.memory_space<hbm>>
    %dma_start3A_354 = arith.constant 0 : i32
    %dma_start3A_355 = arith.constant 0 : i32
    %dma_start3A_356 = tpu.memref_slice %arg6[%dma_start3A_342, %dma_start3A_354, %dma_start3A_355] : memref<6x128x128xf32, #tpu.memory_space<vmem>> -> memref<1x128x128xf32, #tpu.memory_space<vmem>>
    %dma_start3A_357 = tpu.memref_squeeze %dma_start3A_356 : memref<1x128x128xf32, #tpu.memory_space<vmem>> -> memref<128x128xf32, #tpu.memory_space<vmem>>
    tpu.enqueue_dma source(%dma_start3A_357 : memref<128x128xf32, #tpu.memory_space<vmem>>) target(%dma_start3A_353 : memref<128x128xf32, #tpu.memory_space<hbm>>) target_semaphore(%arg14 : memref<!tpu.dma_semaphore, #tpu.memory_space<semaphore_mem>>)
    %dma_wait3A_358 = arith.constant 2 : i32
    %dma_wait3A_359 = arith.constant 44 : i32
    %dma_wait3A_360 = arith.constant 0 : i32
    %dma_wait3A_361 = arith.constant 0 : i32
    %dma_wait3A_362 = tpu.memref_slice %arg6[%dma_wait3A_358, %dma_wait3A_360, %dma_wait3A_361] : memref<6x128x128xf32, #tpu.memory_space<vmem>> -> memref<1x128x128xf32, #tpu.memory_space<vmem>>
    %dma_wait3A_363 = tpu.memref_squeeze %dma_wait3A_362 : memref<1x128x128xf32, #tpu.memory_space<vmem>> -> memref<128x128xf32, #tpu.memory_space<vmem>>
    %dma_wait3A_364 = arith.constant 0 : i32
    %dma_wait3A_365 = tpu.memref_slice %arg4[%dma_wait3A_359, %mul3A_2, %dma_wait3A_364] : memref<50x4096x128xf32, #tpu.memory_space<hbm>> -> memref<1x128x128xf32, #tpu.memory_space<hbm>>
    %dma_wait3A_366 = tpu.memref_squeeze %dma_wait3A_365 : memref<1x128x128xf32, #tpu.memory_space<hbm>> -> memref<128x128xf32, #tpu.memory_space<hbm>>
    %dma_wait3A_367 = arith.constant 0 : i32
    %dma_wait3A_368 = tpu.memref_slice %arg4[%dma_wait3A_359, %mul3A_2, %dma_wait3A_367] : memref<50x4096x128xf32, #tpu.memory_space<hbm>> -> memref<1x128x128xf32, #tpu.memory_space<hbm>>
    %dma_wait3A_369 = tpu.memref_squeeze %dma_wait3A_368 : memref<1x128x128xf32, #tpu.memory_space<hbm>> -> memref<128x128xf32, #tpu.memory_space<hbm>>
    %dma_wait3A_370 = arith.constant 0 : i32
    %dma_wait3A_371 = arith.constant 0 : i32
    %dma_wait3A_372 = tpu.memref_slice %arg6[%dma_wait3A_358, %dma_wait3A_370, %dma_wait3A_371] : memref<6x128x128xf32, #tpu.memory_space<vmem>> -> memref<1x128x128xf32, #tpu.memory_space<vmem>>
    %dma_wait3A_373 = tpu.memref_squeeze %dma_wait3A_372 : memref<1x128x128xf32, #tpu.memory_space<vmem>> -> memref<128x128xf32, #tpu.memory_space<vmem>>
    tpu.wait_dma2 semaphore(%arg15 : memref<!tpu.dma_semaphore, #tpu.memory_space<semaphore_mem>>) src(%dma_wait3A_373 : memref<128x128xf32, #tpu.memory_space<vmem>>) dst(%dma_wait3A_369 : memref<128x128xf32, #tpu.memory_space<hbm>>)
    %dma_wait3A_374 = arith.constant 3 : i32
    %dma_wait3A_375 = arith.constant 45 : i32
    %dma_wait3A_376 = arith.constant 0 : i32
    %dma_wait3A_377 = arith.constant 0 : i32
    %dma_wait3A_378 = tpu.memref_slice %arg6[%dma_wait3A_374, %dma_wait3A_376, %dma_wait3A_377] : memref<6x128x128xf32, #tpu.memory_space<vmem>> -> memref<1x128x128xf32, #tpu.memory_space<vmem>>
    %dma_wait3A_379 = tpu.memref_squeeze %dma_wait3A_378 : memref<1x128x128xf32, #tpu.memory_space<vmem>> -> memref<128x128xf32, #tpu.memory_space<vmem>>
    %dma_wait3A_380 = arith.constant 0 : i32
    %dma_wait3A_381 = tpu.memref_slice %arg4[%dma_wait3A_375, %mul3A_2, %dma_wait3A_380] : memref<50x4096x128xf32, #tpu.memory_space<hbm>> -> memref<1x128x128xf32, #tpu.memory_space<hbm>>
    %dma_wait3A_382 = tpu.memref_squeeze %dma_wait3A_381 : memref<1x128x128xf32, #tpu.memory_space<hbm>> -> memref<128x128xf32, #tpu.memory_space<hbm>>
    %dma_wait3A_383 = arith.constant 0 : i32
    %dma_wait3A_384 = tpu.memref_slice %arg4[%dma_wait3A_375, %mul3A_2, %dma_wait3A_383] : memref<50x4096x128xf32, #tpu.memory_space<hbm>> -> memref<1x128x128xf32, #tpu.memory_space<hbm>>
    %dma_wait3A_385 = tpu.memref_squeeze %dma_wait3A_384 : memref<1x128x128xf32, #tpu.memory_space<hbm>> -> memref<128x128xf32, #tpu.memory_space<hbm>>
    %dma_wait3A_386 = arith.constant 0 : i32
    %dma_wait3A_387 = arith.constant 0 : i32
    %dma_wait3A_388 = tpu.memref_slice %arg6[%dma_wait3A_374, %dma_wait3A_386, %dma_wait3A_387] : memref<6x128x128xf32, #tpu.memory_space<vmem>> -> memref<1x128x128xf32, #tpu.memory_space<vmem>>
    %dma_wait3A_389 = tpu.memref_squeeze %dma_wait3A_388 : memref<1x128x128xf32, #tpu.memory_space<vmem>> -> memref<128x128xf32, #tpu.memory_space<vmem>>
    tpu.wait_dma2 semaphore(%arg16 : memref<!tpu.dma_semaphore, #tpu.memory_space<semaphore_mem>>) src(%dma_wait3A_389 : memref<128x128xf32, #tpu.memory_space<vmem>>) dst(%dma_wait3A_385 : memref<128x128xf32, #tpu.memory_space<hbm>>)
    %dma_wait3A_390 = arith.constant 4 : i32
    %dma_wait3A_391 = arith.constant 46 : i32
    %dma_wait3A_392 = arith.constant 0 : i32
    %dma_wait3A_393 = arith.constant 0 : i32
    %dma_wait3A_394 = tpu.memref_slice %arg6[%dma_wait3A_390, %dma_wait3A_392, %dma_wait3A_393] : memref<6x128x128xf32, #tpu.memory_space<vmem>> -> memref<1x128x128xf32, #tpu.memory_space<vmem>>
    %dma_wait3A_395 = tpu.memref_squeeze %dma_wait3A_394 : memref<1x128x128xf32, #tpu.memory_space<vmem>> -> memref<128x128xf32, #tpu.memory_space<vmem>>
    %dma_wait3A_396 = arith.constant 0 : i32
    %dma_wait3A_397 = tpu.memref_slice %arg4[%dma_wait3A_391, %mul3A_2, %dma_wait3A_396] : memref<50x4096x128xf32, #tpu.memory_space<hbm>> -> memref<1x128x128xf32, #tpu.memory_space<hbm>>
    %dma_wait3A_398 = tpu.memref_squeeze %dma_wait3A_397 : memref<1x128x128xf32, #tpu.memory_space<hbm>> -> memref<128x128xf32, #tpu.memory_space<hbm>>
    %dma_wait3A_399 = arith.constant 0 : i32
    %dma_wait3A_400 = tpu.memref_slice %arg4[%dma_wait3A_391, %mul3A_2, %dma_wait3A_399] : memref<50x4096x128xf32, #tpu.memory_space<hbm>> -> memref<1x128x128xf32, #tpu.memory_space<hbm>>
    %dma_wait3A_401 = tpu.memref_squeeze %dma_wait3A_400 : memref<1x128x128xf32, #tpu.memory_space<hbm>> -> memref<128x128xf32, #tpu.memory_space<hbm>>
    %dma_wait3A_402 = arith.constant 0 : i32
    %dma_wait3A_403 = arith.constant 0 : i32
    %dma_wait3A_404 = tpu.memref_slice %arg6[%dma_wait3A_390, %dma_wait3A_402, %dma_wait3A_403] : memref<6x128x128xf32, #tpu.memory_space<vmem>> -> memref<1x128x128xf32, #tpu.memory_space<vmem>>
    %dma_wait3A_405 = tpu.memref_squeeze %dma_wait3A_404 : memref<1x128x128xf32, #tpu.memory_space<vmem>> -> memref<128x128xf32, #tpu.memory_space<vmem>>
    tpu.wait_dma2 semaphore(%arg17 : memref<!tpu.dma_semaphore, #tpu.memory_space<semaphore_mem>>) src(%dma_wait3A_405 : memref<128x128xf32, #tpu.memory_space<vmem>>) dst(%dma_wait3A_401 : memref<128x128xf32, #tpu.memory_space<hbm>>)
    %dma_wait3A_406 = arith.constant 5 : i32
    %dma_wait3A_407 = arith.constant 47 : i32
    %dma_wait3A_408 = arith.constant 0 : i32
    %dma_wait3A_409 = arith.constant 0 : i32
    %dma_wait3A_410 = tpu.memref_slice %arg6[%dma_wait3A_406, %dma_wait3A_408, %dma_wait3A_409] : memref<6x128x128xf32, #tpu.memory_space<vmem>> -> memref<1x128x128xf32, #tpu.memory_space<vmem>>
    %dma_wait3A_411 = tpu.memref_squeeze %dma_wait3A_410 : memref<1x128x128xf32, #tpu.memory_space<vmem>> -> memref<128x128xf32, #tpu.memory_space<vmem>>
    %dma_wait3A_412 = arith.constant 0 : i32
    %dma_wait3A_413 = tpu.memref_slice %arg4[%dma_wait3A_407, %mul3A_2, %dma_wait3A_412] : memref<50x4096x128xf32, #tpu.memory_space<hbm>> -> memref<1x128x128xf32, #tpu.memory_space<hbm>>
    %dma_wait3A_414 = tpu.memref_squeeze %dma_wait3A_413 : memref<1x128x128xf32, #tpu.memory_space<hbm>> -> memref<128x128xf32, #tpu.memory_space<hbm>>
    %dma_wait3A_415 = arith.constant 0 : i32
    %dma_wait3A_416 = tpu.memref_slice %arg4[%dma_wait3A_407, %mul3A_2, %dma_wait3A_415] : memref<50x4096x128xf32, #tpu.memory_space<hbm>> -> memref<1x128x128xf32, #tpu.memory_space<hbm>>
    %dma_wait3A_417 = tpu.memref_squeeze %dma_wait3A_416 : memref<1x128x128xf32, #tpu.memory_space<hbm>> -> memref<128x128xf32, #tpu.memory_space<hbm>>
    %dma_wait3A_418 = arith.constant 0 : i32
    %dma_wait3A_419 = arith.constant 0 : i32
    %dma_wait3A_420 = tpu.memref_slice %arg6[%dma_wait3A_406, %dma_wait3A_418, %dma_wait3A_419] : memref<6x128x128xf32, #tpu.memory_space<vmem>> -> memref<1x128x128xf32, #tpu.memory_space<vmem>>
    %dma_wait3A_421 = tpu.memref_squeeze %dma_wait3A_420 : memref<1x128x128xf32, #tpu.memory_space<vmem>> -> memref<128x128xf32, #tpu.memory_space<vmem>>
    tpu.wait_dma2 semaphore(%arg18 : memref<!tpu.dma_semaphore, #tpu.memory_space<semaphore_mem>>) src(%dma_wait3A_421 : memref<128x128xf32, #tpu.memory_space<vmem>>) dst(%dma_wait3A_417 : memref<128x128xf32, #tpu.memory_space<hbm>>)
    %dma_wait3A_422 = arith.constant 0 : i32
    %dma_wait3A_423 = arith.constant 48 : i32
    %dma_wait3A_424 = arith.constant 0 : i32
    %dma_wait3A_425 = arith.constant 0 : i32
    %dma_wait3A_426 = tpu.memref_slice %arg6[%dma_wait3A_422, %dma_wait3A_424, %dma_wait3A_425] : memref<6x128x128xf32, #tpu.memory_space<vmem>> -> memref<1x128x128xf32, #tpu.memory_space<vmem>>
    %dma_wait3A_427 = tpu.memref_squeeze %dma_wait3A_426 : memref<1x128x128xf32, #tpu.memory_space<vmem>> -> memref<128x128xf32, #tpu.memory_space<vmem>>
    %dma_wait3A_428 = arith.constant 0 : i32
    %dma_wait3A_429 = tpu.memref_slice %arg4[%dma_wait3A_423, %mul3A_2, %dma_wait3A_428] : memref<50x4096x128xf32, #tpu.memory_space<hbm>> -> memref<1x128x128xf32, #tpu.memory_space<hbm>>
    %dma_wait3A_430 = tpu.memref_squeeze %dma_wait3A_429 : memref<1x128x128xf32, #tpu.memory_space<hbm>> -> memref<128x128xf32, #tpu.memory_space<hbm>>
    %dma_wait3A_431 = arith.constant 0 : i32
    %dma_wait3A_432 = tpu.memref_slice %arg4[%dma_wait3A_423, %mul3A_2, %dma_wait3A_431] : memref<50x4096x128xf32, #tpu.memory_space<hbm>> -> memref<1x128x128xf32, #tpu.memory_space<hbm>>
    %dma_wait3A_433 = tpu.memref_squeeze %dma_wait3A_432 : memref<1x128x128xf32, #tpu.memory_space<hbm>> -> memref<128x128xf32, #tpu.memory_space<hbm>>
    %dma_wait3A_434 = arith.constant 0 : i32
    %dma_wait3A_435 = arith.constant 0 : i32
    %dma_wait3A_436 = tpu.memref_slice %arg6[%dma_wait3A_422, %dma_wait3A_434, %dma_wait3A_435] : memref<6x128x128xf32, #tpu.memory_space<vmem>> -> memref<1x128x128xf32, #tpu.memory_space<vmem>>
    %dma_wait3A_437 = tpu.memref_squeeze %dma_wait3A_436 : memref<1x128x128xf32, #tpu.memory_space<vmem>> -> memref<128x128xf32, #tpu.memory_space<vmem>>
    tpu.wait_dma2 semaphore(%arg13 : memref<!tpu.dma_semaphore, #tpu.memory_space<semaphore_mem>>) src(%dma_wait3A_437 : memref<128x128xf32, #tpu.memory_space<vmem>>) dst(%dma_wait3A_433 : memref<128x128xf32, #tpu.memory_space<hbm>>)
    %dma_wait3A_438 = arith.constant 1 : i32
    %dma_wait3A_439 = arith.constant 49 : i32
    %dma_wait3A_440 = arith.constant 0 : i32
    %dma_wait3A_441 = arith.constant 0 : i32
    %dma_wait3A_442 = tpu.memref_slice %arg6[%dma_wait3A_438, %dma_wait3A_440, %dma_wait3A_441] : memref<6x128x128xf32, #tpu.memory_space<vmem>> -> memref<1x128x128xf32, #tpu.memory_space<vmem>>
    %dma_wait3A_443 = tpu.memref_squeeze %dma_wait3A_442 : memref<1x128x128xf32, #tpu.memory_space<vmem>> -> memref<128x128xf32, #tpu.memory_space<vmem>>
    %dma_wait3A_444 = arith.constant 0 : i32
    %dma_wait3A_445 = tpu.memref_slice %arg4[%dma_wait3A_439, %mul3A_2, %dma_wait3A_444] : memref<50x4096x128xf32, #tpu.memory_space<hbm>> -> memref<1x128x128xf32, #tpu.memory_space<hbm>>
    %dma_wait3A_446 = tpu.memref_squeeze %dma_wait3A_445 : memref<1x128x128xf32, #tpu.memory_space<hbm>> -> memref<128x128xf32, #tpu.memory_space<hbm>>
    %dma_wait3A_447 = arith.constant 0 : i32
    %dma_wait3A_448 = tpu.memref_slice %arg4[%dma_wait3A_439, %mul3A_2, %dma_wait3A_447] : memref<50x4096x128xf32, #tpu.memory_space<hbm>> -> memref<1x128x128xf32, #tpu.memory_space<hbm>>
    %dma_wait3A_449 = tpu.memref_squeeze %dma_wait3A_448 : memref<1x128x128xf32, #tpu.memory_space<hbm>> -> memref<128x128xf32, #tpu.memory_space<hbm>>
    %dma_wait3A_450 = arith.constant 0 : i32
    %dma_wait3A_451 = arith.constant 0 : i32
    %dma_wait3A_452 = tpu.memref_slice %arg6[%dma_wait3A_438, %dma_wait3A_450, %dma_wait3A_451] : memref<6x128x128xf32, #tpu.memory_space<vmem>> -> memref<1x128x128xf32, #tpu.memory_space<vmem>>
    %dma_wait3A_453 = tpu.memref_squeeze %dma_wait3A_452 : memref<1x128x128xf32, #tpu.memory_space<vmem>> -> memref<128x128xf32, #tpu.memory_space<vmem>>
    tpu.wait_dma2 semaphore(%arg14 : memref<!tpu.dma_semaphore, #tpu.memory_space<semaphore_mem>>) src(%dma_wait3A_453 : memref<128x128xf32, #tpu.memory_space<vmem>>) dst(%dma_wait3A_449 : memref<128x128xf32, #tpu.memory_space<hbm>>)
    return
  }
}

</mosaic_0001>

<sc_bundles>
// kernel: kernel.3.cloned.1.call-start
scs
__scs_entry_jumppad:
0x0: {  	(pc) =	sbr.rel $0x88, $3  }
0x1: {  	(tag) =	ssettag $0x0;
	lr =	simm.s32 $0x1  }
0x2: {  	[smem:$0x3F9F] =	sst lr;
	_ =	strace $0xD0000000  }
0x3: {  	_ = 	snop  }
0x4: {  	_ = 	snop  }
0x5: {  	_ = 	snop  }
0x6: {  	_ = 	snop  }
0x7: {  	_ = 	snop  }
__scs_overlays_trampoline_lowered:
0x8: {  	[smem:$0x3FAE] =	sst s0  }
0x9: {  	[smem:$0x3FAF] =	sst s1  }
0xa: {  	[smem:$0x3FB0] =	sst s2  }
0xb: {  	[smem:$0x3FB1] =	sst s3  }
0xc: {  	[smem:$0x3FB2] =	sst s4  }
0xd: {  	[smem:$0x3FB3] =	sst s5  }
0xe: {  	[smem:$0x3FB4] =	sst s6  }
0xf: {  	[smem:$0x3FB5] =	sst s7  }
0x10: {  	[smem:$0x3FB6] =	sst s8  }
0x11: {  	[smem:$0x3FB7] =	sst s9;
	s0 =	simm.s32 @!p0 $0x0  }
0x12: {  	s1 =	sld [smem:$0x3F9D];
	s0 =	simm.s32 @p0 $0x1  }
0x13: {  	[smem:$0x3FB8] =	sst s0;
	s0 =	simm.s32 @!p1 $0x0  }
0x14: {  	s2 =	sld [smem:$0x3F9C];
	s0 =	simm.s32 @p1 $0x1  }
0x15: {  	[smem:$0x3FB9] =	sst s0;
	s0 =	simm.s32 @!p2 $0x0  }
0x16: {  	s3 =	sld [smem:$0x3FDB];
	s0 =	simm.s32 @p2 $0x1  }
0x17: {  	s4 =	simm.s32 $0x1BF5;
	[smem:$0x3FBB] =	sst s0  }
0x18: {  	s0 =	sld [smem:$0x3F9E];
	_ =	swait.ge [sflag:s4], $0x0  }
0x19: {  	s7 =	sld [smem:$0x3F9F]  }
0x1a: {  	s8 =	sadd.s32 $0xFFFFE003, lr  }
0x1b: {  	s9 =	sadd.s32 $0xFFFFFEF7, lr;
	s5 =	simm.s32 $0xFFFFFFFF;
	p2 =	slt.u32 s8, $0xFFFFF086  }
0x1c: {  	p1 =	slt.u32 s9, $0xF7A;
	s5 =	simm.s32 @!p2 $0x0  }
0x1d: {  	s5 =	simm.s32 @p1 $0x1;
	p0 =	seq.s32 s7, s2  }
0x1e: {  	s7 =	smul.u32 @!p0 $0xF7A, s2;
	p2 =	seq.s32 @!p0 s5, $0x0  }
0x1f: {  	s9 =	smul.u32 $0xF7A, s1;
	s8 =	simm.s32 @!p0 $0x1BF5;
	p2 =	por !p2, p0  }
0x20: {  	[sflag:s8] =	ssyncset.s32 @!p0 $0xFFFFF086;
	s6 =	sadd.s32 @!p0 s3, s7;
	s7 =	simm.s32 @!p0 $0x108  }
0x21: {  	s3 =	sadd.s32 s3, s9;
	s6 =	sadd.s32 @!p0 $0x88, s6;
	s7 =	simm.s32 @p2 $0x1082  }
0x22: {  	[simem:s7], [sflag:s8] =	dma.local @!p0 [hbm:s6], $0xF7A  }
0x23: {  	s9 =	sor.u32 $0xD0000000, s2;
	s6 =	simm.s32 $0x108;
	_ =	swait.ge @!p0 [sflag:s8], $0x0  }
0x24: {  	s3 =	sadd.s32 $0x88, s3;
	s6 =	simm.s32 @!p1 $0x1082;
	[sflag:s4] =	ssyncset.s32 $0xFFFFF086  }
0x25: {  	[simem:s6], [sflag:s4] =	dma.local [hbm:s3], $0xF7A  }
0x26: {  	[smem:$0x3F9F] =	sst s1;
	(tag) =	ssettag s2;
	_ =	strace s9  }
0x27: {  	s1 =	sld [smem:$0x3FAF]  }
0x28: {  	s2 =	sld [smem:$0x3FB0]  }
0x29: {  	s4 =	sld [smem:$0x3FB2]  }
0x2a: {  	p0 =	seq.s32 s5, $0x0;
	s5 =	sld [smem:$0x3FB3]  }
0x2b: {  	s6 =	sld [smem:$0x3FB4]  }
0x2c: {  	s7 =	sld [smem:$0x3FB5]  }
0x2d: {  	s3 =	simm.s32 $0x108;
	s8 =	sld [smem:$0x3FB6]  }
0x2e: {  	s3 =	simm.s32 @!p0 $0x1082;
	s9 =	sld [smem:$0x3FB7]  }
0x2f: {  	lr =	sadd.s32 s0, s3;
	s0 =	sld [smem:$0x3FAE]  }
0x30: {  	s3 =	sld [smem:$0x3FB1]  }
0x31: {  	[smem:$0x3FBA] =	sst s10  }
0x32: {  	s10 =	sld [smem:$0x3FB8];
	_ =	sdelay $0x3  }
0x33: {  	p0 =	seq.s32 s10, $0x1;
	s10 =	sld [smem:$0x3FBA];
	_ =	sdelay $0x3  }
0x34: {  	[smem:$0x3FBA] =	sst s10  }
0x35: {  	s10 =	sld [smem:$0x3FB9];
	_ =	sdelay $0x3  }
0x36: {  	p1 =	seq.s32 s10, $0x1;
	s10 =	sld [smem:$0x3FBA];
	_ =	sdelay $0x3  }
0x37: {  	[smem:$0x3FBA] =	sst s10  }
0x38: {  	s10 =	sld [smem:$0x3FBB]  }
0x39: {  	_ = 	snop;
	(pc) =	sbr.ind lr, $3  }
0x3a: {  	_ = 	snop  }
0x3b: {  	_ = 	snop  }
0x3c: {  	p2 =	seq.s32 s10, $0x1;
	s10 =	sld [smem:$0x3FBA]  }
0x3d: {  	_ =	shalt  }
0x3e: {  	_ =	shalt  }
0x3f: {  	_ =	shalt  }
0x40: {  	_ =	shalt  }
0x41: {  	_ =	shalt  }
0x42: {  	_ =	shalt  }
0x43: {  	_ =	shalt  }
0x44: {  	_ =	shalt  }
0x45: {  	_ =	shalt  }
0x46: {  	_ =	shalt  }
0x47: {  	_ =	shalt  }
0x48: {  	_ =	shalt  }
0x49: {  	_ =	shalt  }
0x4a: {  	_ =	shalt  }
0x4b: {  	_ =	shalt  }
0x4c: {  	_ =	shalt  }
0x4d: {  	_ =	shalt  }
0x4e: {  	_ =	shalt  }
0x4f: {  	_ =	shalt  }
0x50: {  	_ =	shalt  }
0x51: {  	_ =	shalt  }
0x52: {  	_ =	shalt  }
0x53: {  	_ =	shalt  }
0x54: {  	_ =	shalt  }
0x55: {  	_ =	shalt  }
0x56: {  	_ =	shalt  }
0x57: {  	_ =	shalt  }
0x58: {  	_ =	shalt  }
0x59: {  	_ =	shalt  }
0x5a: {  	_ =	shalt  }
0x5b: {  	_ =	shalt  }
0x5c: {  	_ =	shalt  }
0x5d: {  	_ =	shalt  }
0x5e: {  	_ =	shalt  }
0x5f: {  	_ =	shalt  }
0x60: {  	_ =	shalt  }
0x61: {  	_ =	shalt  }
0x62: {  	_ =	shalt  }
0x63: {  	_ =	shalt  }
0x64: {  	_ =	shalt  }
0x65: {  	_ =	shalt  }
0x66: {  	_ =	shalt  }
0x67: {  	_ =	shalt  }
0x68: {  	_ =	shalt  }
0x69: {  	_ =	shalt  }
0x6a: {  	_ =	shalt  }
0x6b: {  	_ =	shalt  }
0x6c: {  	_ =	shalt  }
0x6d: {  	_ =	shalt  }
0x6e: {  	_ =	shalt  }
0x6f: {  	_ =	shalt  }
0x70: {  	_ =	shalt  }
0x71: {  	_ =	shalt  }
0x72: {  	_ =	shalt  }
0x73: {  	_ =	shalt  }
0x74: {  	_ =	shalt  }
0x75: {  	_ =	shalt  }
0x76: {  	_ =	shalt  }
0x77: {  	_ =	shalt  }
0x78: {  	_ =	shalt  }
0x79: {  	_ =	shalt  }
0x7a: {  	_ =	shalt  }
0x7b: {  	_ =	shalt  }
0x7c: {  	_ =	shalt  }
0x7d: {  	_ =	shalt  }
0x7e: {  	_ =	shalt  }
0x7f: {  	_ =	shalt  }
0x80: {  	_ =	shalt  }
0x81: {  	_ =	shalt  }
0x82: {  	_ =	shalt  }
0x83: {  	_ =	shalt  }
0x84: {  	_ =	shalt  }
0x85: {  	_ =	shalt  }
0x86: {  	_ =	shalt  }
0x87: {  	_ =	shalt  }
.Lfunc_end0:
.L_simem_size_0:
called_computation_lowered:
.L_overlay_start_0:
0x88: {  	s2 =	sld [smem:$0x3FD9]  }
0x89: {  	s3 =	sld [smem:$0x3FFE];
	_ =	sdelay $0x1  }
0x8a: {  	s1 =	srdreg.scid  }
0x8b: {  	s0 =	sand.u32 $0x1, s1  }
0x8c: {  	s17 =	sshll.u32 s0, $0xA;
	s2 =	sadd.s32 s3, s2  }
0x8d: {  	s2 =	sadd.s32 s2, s17  }
0x8e: {  	[smem:$0x3FC6] =	sst s2  }
0x8f: {  	_ = 	snop  }
0x90: {  	s2 =	sld [smem:$0x3FC8]  }
0x91: {  	s18 =	sld [smem:$0x3FD0];
	(tm) =	ssettm $0x1  }
0x92: {  	s4 =	sld [smem:$0x3FFB];
	_ =	sdelay $0x3  }
0x93: {  	_ =	strace s4  }
0x94: {  	s4 =	sld [smem:$0x3FFC];
	_ =	sdelay $0x3  }
0x95: {  	_ =	strace s4  }
0x96: {  	s4 =	sld [smem:$0x3FFD];
	_ =	sdelay $0x3  }
0x97: {  	_ =	strace s4  }
0x98: {  	_ =	strace $0x8FFFFFFF  }
0x99: {  	s19 =	sld [smem:$0x3FDB];
	_ =	sdelay $0x1  }
0x9a: {  	s5 =	simm.s32 $_scs_section_size  }
0x9b: {  	s6 =	simm.s32 $_size__tile_overlayer_lowered;
	s7 =	simm.s32 $_tile_overlayer_lowered  }
0x9c: {  	s22 =	simm.s32 $0x1BFF;
	s21 =	sshll.u32 s7, $0x1;
	s4 =	sadd.s32 s5, s19  }
0x9d: {  	s8 =	simm.s32 $0x0;
	s20 =	sshll.u32 s6, $0x1;
	s6 =	sadd.s32 s21, s4  }
0x9e: {  	[timem:s8], [sflag:s22] =	dma.local [hbm:s6], s20  }
0x9f: {  	_ =	swait.ge [sflag:s22], s20  }
0xa0: {  	s5 =	ssub.s32 $0x0, s20;
	[sflag:s22] =	ssyncset.done $0x0  }
0xa1: {  	[sflag:s22] =	ssyncadd.s32 s5;
	_ =	sdelay $0x1  }
0xa2: {  	s23 =	simm.s32 $0x1B8B  }
0xa3: {  	_ =	swait.ge [sflag:s23], $0x1  }
0xa4: {  	[sflag:s23] =	ssyncset.done $0x0  }
0xa5: {  	s25 =	simm.s32 $0x1B8E;
	s24 =	sld [smem:$0x3FFE];
	[sflag:s23] =	ssyncadd.s32 $0xFFFFFFFF  }
0xa6: {  	s26 =	simm.s32 $execute0_lowered;
	[smem:$0x3FD2] =	sst s25  }
0xa7: {  	s6 =	sshll.u32 s26, $0x1;
	_ =	strace $0x80000046;
	[dreg:$0x1] =	wrdreg $0xFFFFFFFF  }
0xa8: {  	s28 =	simm.s32 $_size_execute0_lowered;
	s4 =	sadd.s32 s4, s6;
	[dreg:$0x0] =	wrdreg $0x0  }
0xa9: {  	s6 =	sshll.u32 s28, $0x1;
	[dreg:$0x2] =	wrdreg s4  }
0xaa: {  	[dreg:$0x3] =	wrdreg s6  }
0xab: {  	[dreg:$0x4] =	wrdreg $0xC0  }
0xac: {  	_ =	task [dreg:s8], $0x5FFFF  }
0xad: {  	[dreg:$0x1] =	wrdreg $0xFFFFFFFF  }
0xae: {  	[dreg:$0x0] =	wrdreg $0x60  }
0xaf: {  	[dreg:$0x2] =	wrdreg s24  }
0xb0: {  	[dreg:$0x3] =	wrdreg s2  }
0xb1: {  	[dreg:$0x4] =	wrdreg s18  }
0xb2: {  	[dreg:$0x5] =	wrdreg $0x9  }
0xb3: {  	_ =	task.clear_ibuf [dreg:s8], $0x6FFFF;
	_ =	strace $0x90000046  }
0xb4: {  	s29 =	simm.s32 $0x9;
	_ =	strace $0x80000048  }
0xb5: {  	_ =	swait.ge [sflag:s29], $0x1  }
0xb6: {  	[sflag:s29] =	ssyncadd.s32 $0xFFFFFFFF  }
0xb7: {  	_ =	strace $0x90000048  }
0xb8: {  	_ =	sfence  }
0xb9: {  	s30 =	sld [smem:$0x0];
	_ =	sdelay $0x2  }
0xba: {  	s31 =	sshll.u32 s1, $0xD;
	s1 =	sshrl.u32 s1, $0x2  }
0xbb: {  	s3 =	sand.u32 $0x4000, s31;
	s1 =	sadd.s32 s1, s30  }
0xbc: {  	s0 =	sor.u32 s3, s0;
	s1 =	sshll.u32 s1, $0x11  }
0xbd: {  	s0 =	sor.u32 s1, s0  }
0xbe: {  	s0 =	sadd.s32 $0x8F2B, s0  }
0xbf: {  	[sflag:s0] =	ssyncadd.remote.s32 $0x1  }
0xc0: {  	_ =	sfence.sel $0xFFFF  }
0xc1: {  	[dreg:$0x0] =	wrdreg $0xFFFFFFFF;
	(pc) =	sbr.abs _section_cstart, $3  }
0xc2: {  	[dreg:$0x1] =	wrdreg $0xFFFFFFFF  }
0xc3: {  	_ =	task.clear_ibuf [dreg:s8], $0x2FFFF;
	_ =	strace $0x9FFFFFFF  }
0xc4: {  	(tm) =	ssettm $0x7FFFFFFF  }
0xc5: {  	_ =	shalt  }
tec
execute0_lowered:
.L_overlay_start_1:
0x0: {  	(tag) =	ssettag $0x1  }
0x1: {  	s0 =	rddreg [dreg:$0x0]  }
0x2: {  	s2 =	rddreg [dreg:$0x1]  }
0x3: {  	s1 =	srdreg.scid;
	s8 =	stileid.u32  }
0x4: {  	s3 =	rddreg [dreg:$0x2];
	s4 =	simm.s32 $0x0;
	s29 =	simm.s32 $0xDC00  }
0x5: {  	s31 =	simm.s32 $0x11C00;
	s1 =	sand.u32 $0x1, s1;
	s5 =	sshll.u32 s8, $0x1  }
0x6: {  	s28 =	simm.s32 $0x2;
	s30 =	simm.s32 $0x7;
	s5 =	sor.u32 s1, s5  }
0x7: {  	[smem:$0x7FF] =	sst s4;
	s6 =	smul.u32 $0x380, s5;
	s5 =	sshll.u32 s5, $0xB  }
0x8: {  	s14 =	sshll.u32 s8, $0xF;
	s8 =	simm.s32 $0x9;
	s5 =	sadd.s32 s3, s5  }
0x9: {  	_ =	strace $0x80000047;
	s10 =	sadd.s32 $0x2B0000, s5;
	[dreg:$0x5] =	wrdreg s5  }
0xa: {  	s7 =	ssub.s32 $0x2, s1;
	s11 =	sadd.s32 $0x2C0000, s5;
	[dreg:$0x6] =	wrdreg s10  }
0xb: {  	s1 =	sshll.u32 s1, $0xE;
	s12 =	sadd.s32 $0x2D0000, s5;
	[dreg:$0x7] =	wrdreg s11  }
0xc: {  	s9 =	sshrl.u32 s7, $0x1;
	s13 =	sadd.s32 $0x2E0000, s5;
	[dreg:$0x8] =	wrdreg s12  }
0xd: {  	s0 =	sadd.s32 s6, s0;
	s15 =	sadd.s32 $0x2F0000, s5;
	[dreg:$0x9] =	wrdreg s13  }
0xe: {  	s6 =	ssub.s32 s7, s9;
	s16 =	sadd.s32 $0x300000, s5;
	[dreg:$0xa] =	wrdreg s15  }
0xf: {  	s17 =	sadd.s32 $0x310000, s5;
	s7 =	simm.s32 $0x4;
	[dreg:$0xb] =	wrdreg s16  }
0x10: {  	s9 =	simm.s32 $0x5;
	s0 =	sadd.s32 $0x400, s0;
	[dreg:$0xc] =	wrdreg s17  }
0x11: {  	s6 =	smax.u32 s6, $0x1;
	s10 =	simm.s32 $0xA;
	s11 =	simm.s32 $0x6  }
0x12: {  	s12 =	simm.s32 $0xB;
	s13 =	simm.s32 $0xC;
	[dreg:$0x4] =	wrdreg s0  }
0x13: {  	s0 =	sor.u32 s1, s14;
	[dreg:$0xd] =	wrdreg s6;
	s14 =	simm.s32 $0x0  }
0x14: {  	s18 =	sor.u32 $0x280000, s0;
	s19 =	sor.u32 $0x200000, s0;
	s21 =	sor.u32 $0x180000, s0  }
0x15: {  	s22 =	sor.u32 $0x100000, s0;
	s23 =	sshrl.u32 s0, $0x3;
	s0 =	sor.u32 $0x300000, s0  }
0x16: {  	s1 =	sshrl.u32 s18, $0x3;
	s5 =	sshrl.u32 s19, $0x3;
	s24 =	sshrl.u32 s22, $0x3  }
0x17: {  	s25 =	sadd.s32 s23, s3;
	[dreg:$0x13] =	wrdreg s0;
	s22 =	simm.s32 $0x80  }
0x18: {  	s23 =	simm.s32 $0x1C00;
	s0 =	simm.s32 $0x3;
	s1 =	sadd.s32 s1, s3  }
0x19: {  	s20 =	sadd.s32 s5, s3;
	s26 =	sadd.s32 $0x10000, s25;
	[dreg:$0xe] =	wrdreg s1  }
0x1a: {  	s25 =	simm.s32 $0x15C00;
	[dreg:$0xf] =	wrdreg s20;
	s1 =	sshrl.u32 s21, $0x3  }
0x1b: {  	s5 =	simm.s32 $0x8;
	[dreg:$0x12] =	wrdreg s26;
	s1 =	sadd.s32 s1, s3  }
0x1c: {  	s26 =	simm.s32 $0x9C00;
	[dreg:$0x10] =	wrdreg s1;
	s1 =	sadd.s32 s24, s3  }
0x1d: {  	s24 =	simm.s32 $0x5C00;
	[dreg:$0x11] =	wrdreg s1;
	s1 =	simm.s32 $0x1  }
.LBB2_1:
0x1e: {  	[dreg:$0x14] =	wrdreg s14  }
0x1f: {  	s6 =	rddreg [dreg:$0x4];
	s16 =	simm.s32 $0xD  }
0x20: {  	[tilespmem:s4], [sflag:$0xD] =	stream.linear.gather [hbm4b:s6+s4], $0x1900, $0x38;
	[tilespmem:$0x19C00] =	vst v63  }
0x21: {  	_ =	swait.ge [sflag:s16], $0x1900  }
0x22: {  	[sflag:s16] =	ssyncset.done $0x0  }
0x23: {  	[sflag:s16] =	ssyncadd.s32 $0xFFFFE700  }
0x24: {  	[tilespmem:s23], [sflag:$0x1] =	stream.indirect.gather [hbm4b:s2+s22], $0x80, s4, s22, $0xb8;
	[tilespmem:$0x19C00] =	vst v63  }
0x25: {  	_ = 	snop  }
0x26: {  	[tilespmem:s24], [sflag:$0x2] =	stream.indirect.gather [hbm4b:s2+s22], $0x80, s22, s22, $0xb8;
	[tilespmem:$0x19C00] =	vst v63  }
0x27: {  	s17 =	simm.s32 $0x100  }
0x28: {  	[tilespmem:s26], [sflag:$0x3] =	stream.indirect.gather [hbm4b:s2+s22], $0x80, s17, s22, $0xb8;
	[tilespmem:$0x19C00] =	vst v63  }
0x29: {  	s18 =	simm.s32 $0x180  }
0x2a: {  	[tilespmem:s29], [sflag:$0x4] =	stream.indirect.gather [hbm4b:s2+s22], $0x80, s18, s22, $0xb8;
	[tilespmem:$0x19C00] =	vst v63  }
0x2b: {  	s19 =	simm.s32 $0x200  }
0x2c: {  	[tilespmem:s31], [sflag:$0x5] =	stream.indirect.gather [hbm4b:s2+s22], $0x80, s19, s22, $0xb8;
	[tilespmem:$0x19C00] =	vst v63  }
0x2d: {  	_ =	swait.ge [sflag:s1], $0x4000  }
0x2e: {  	[sflag:s1] =	ssyncset.done $0x0  }
0x2f: {  	s20 =	rddreg [dreg:$0x5];
	[sflag:s1] =	ssyncadd.s32 $0xFFFFC000  }
0x30: {  	[hbm4b:s20+s4] =	stream.linear.scatter [tilespmem:s23], [sflag:$0x7], $0x4000, $0x38;
	[tilespmem:$0x19C00] =	vst v63  }
0x31: {  	s21 =	simm.s32 $0x280  }
0x32: {  	[tilespmem:s25], [sflag:$0x6] =	stream.indirect.gather [hbm4b:s2+s22], $0x80, s21, s22, $0xb8;
	[tilespmem:$0x19C00] =	vst v63  }
0x33: {  	_ =	swait.ge [sflag:s28], $0x4000  }
0x34: {  	[sflag:s28] =	ssyncset.done $0x0  }
0x35: {  	s19 =	rddreg [dreg:$0x12];
	[sflag:s28] =	ssyncadd.s32 $0xFFFFC000  }
0x36: {  	[hbm4b:s19+s4] =	stream.linear.scatter [tilespmem:s24], [sflag:$0x8], $0x4000, $0x38;
	[tilespmem:$0x19C00] =	vst v63  }
0x37: {  	_ =	swait.ge [sflag:s30], $0x4000  }
0x38: {  	[sflag:s30] =	ssyncset.done $0x0  }
0x39: {  	s14 =	simm.s32 $0x300;
	[sflag:s30] =	ssyncadd.s32 $0xFFFFC000  }
0x3a: {  	[tilespmem:s23], [sflag:$0x1] =	stream.indirect.gather [hbm4b:s2+s22], $0x80, s14, s22, $0xb8;
	[tilespmem:$0x19C00] =	vst v63  }
0x3b: {  	_ =	swait.ge [sflag:s0], $0x4000  }
0x3c: {  	[sflag:s0] =	ssyncset.done $0x0  }
0x3d: {  	s16 =	rddreg [dreg:$0x11];
	[sflag:s0] =	ssyncadd.s32 $0xFFFFC000  }
0x3e: {  	[hbm4b:s16+s4] =	stream.linear.scatter [tilespmem:s26], [sflag:$0x9], $0x4000, $0x38;
	[tilespmem:$0x19C00] =	vst v63  }
0x3f: {  	_ =	swait.ge [sflag:s5], $0x4000  }
0x40: {  	[sflag:s5] =	ssyncset.done $0x0  }
0x41: {  	s15 =	simm.s32 $0x380;
	[sflag:s5] =	ssyncadd.s32 $0xFFFFC000  }
0x42: {  	[tilespmem:s24], [sflag:$0x2] =	stream.indirect.gather [hbm4b:s2+s22], $0x80, s15, s22, $0xb8;
	[tilespmem:$0x19C00] =	vst v63  }
0x43: {  	_ =	swait.ge [sflag:s7], $0x4000  }
0x44: {  	[sflag:s7] =	ssyncset.done $0x0  }
0x45: {  	s18 =	rddreg [dreg:$0x10];
	[sflag:s7] =	ssyncadd.s32 $0xFFFFC000  }
0x46: {  	[hbm4b:s18+s4] =	stream.linear.scatter [tilespmem:s29], [sflag:$0xA], $0x4000, $0x38;
	[tilespmem:$0x19C00] =	vst v63  }
0x47: {  	_ =	swait.ge [sflag:s8], $0x4000  }
0x48: {  	[sflag:s8] =	ssyncset.done $0x0  }
0x49: {  	s17 =	simm.s32 $0x400;
	[sflag:s8] =	ssyncadd.s32 $0xFFFFC000  }
0x4a: {  	[tilespmem:s26], [sflag:$0x3] =	stream.indirect.gather [hbm4b:s2+s22], $0x80, s17, s22, $0xb8;
	[tilespmem:$0x19C00] =	vst v63  }
0x4b: {  	_ =	swait.ge [sflag:s9], $0x4000  }
0x4c: {  	[sflag:s9] =	ssyncset.done $0x0  }
0x4d: {  	s17 =	rddreg [dreg:$0xf];
	[sflag:s9] =	ssyncadd.s32 $0xFFFFC000  }
0x4e: {  	[hbm4b:s17+s4] =	stream.linear.scatter [tilespmem:s31], [sflag:$0xB], $0x4000, $0x38;
	[tilespmem:$0x19C00] =	vst v63  }
0x4f: {  	_ =	swait.ge [sflag:s10], $0x4000  }
0x50: {  	[sflag:s10] =	ssyncset.done $0x0  }
0x51: {  	s20 =	simm.s32 $0x480;
	[sflag:s10] =	ssyncadd.s32 $0xFFFFC000  }
0x52: {  	[tilespmem:s29], [sflag:$0x4] =	stream.indirect.gather [hbm4b:s2+s22], $0x80, s20, s22, $0xb8;
	[tilespmem:$0x19C00] =	vst v63  }
0x53: {  	_ =	swait.ge [sflag:s11], $0x4000  }
0x54: {  	[sflag:s11] =	ssyncset.done $0x0  }
0x55: {  	s14 =	rddreg [dreg:$0xe];
	[sflag:s11] =	ssyncadd.s32 $0xFFFFC000  }
0x56: {  	[hbm4b:s14+s4] =	stream.linear.scatter [tilespmem:s25], [sflag:$0xC], $0x4000, $0x38;
	[tilespmem:$0x19C00] =	vst v63  }
0x57: {  	_ =	swait.ge [sflag:s12], $0x4000  }
0x58: {  	[sflag:s12] =	ssyncset.done $0x0  }
0x59: {  	s21 =	simm.s32 $0x500;
	[sflag:s12] =	ssyncadd.s32 $0xFFFFC000  }
0x5a: {  	[tilespmem:s31], [sflag:$0x5] =	stream.indirect.gather [hbm4b:s2+s22], $0x80, s21, s22, $0xb8;
	[tilespmem:$0x19C00] =	vst v63  }
0x5b: {  	_ =	swait.ge [sflag:s1], $0x4000  }
0x5c: {  	s20 =	rddreg [dreg:$0x13]  }
0x5d: {  	s6 =	simm.s32 $0xC00;
	[sflag:s1] =	ssyncset.done $0x0;
	s15 =	sshrl.u32 s20, $0x3  }
0x5e: {  	s18 =	sadd.s32 $0x60000, s18;
	[sflag:s1] =	ssyncadd.s32 $0xFFFFC000;
	s15 =	sadd.s32 s3, s15  }
0x5f: {  	[hbm4b:s15+s4] =	stream.linear.scatter [tilespmem:s23], [sflag:$0x7], $0x4000, $0x38;
	[tilespmem:$0x19C00] =	vst v63  }
0x60: {  	s17 =	sadd.s32 $0x60000, s17;
	s21 =	sadd.s32 $0x300000, s20;
	_ =	swait.ge [sflag:s13], $0x4000  }
0x61: {  	s20 =	simm.s32 $0x580;
	s15 =	sadd.s32 $0x60000, s16;
	[sflag:s13] =	ssyncset.done $0x0  }
0x62: {  	s16 =	sadd.s32 $0x60000, s19;
	s19 =	sadd.s32 $0x60000, s14;
	[sflag:s13] =	ssyncadd.s32 $0xFFFFC000  }
.LBB2_2:
0x63: {  	[tilespmem:s25], [sflag:$0x6] =	stream.indirect.gather [hbm4b:s2+s22], $0x80, s20, s22, $0xb8;
	[tilespmem:$0x19C00] =	vst v63  }
0x64: {  	s20 =	smov.u32 s6  }
0x65: {  	p0 =	sne.s32 s6, $0x4800;
	s6 =	sadd.s32 $0xC00, s6;
	_ =	swait.ge [sflag:s28], $0x4000  }
0x66: {  	[sflag:s28] =	ssyncset.done $0x0  }
0x67: {  	[sflag:s28] =	ssyncadd.s32 $0xFFFFC000  }
0x68: {  	[hbm4b:s16+s4] =	stream.linear.scatter [tilespmem:s24], [sflag:$0x8], $0x4000, $0x38;
	[tilespmem:$0x19C00] =	vst v63  }
0x69: {  	_ =	swait.ge [sflag:s30], $0x4000  }
0x6a: {  	s20 =	sshra.s32 s20, $0x2;
	[sflag:s30] =	ssyncset.done $0x0  }
0x6b: {  	s14 =	sadd.s32 $0x300, s20;
	[sflag:s30] =	ssyncadd.s32 $0xFFFFC000  }
0x6c: {  	[tilespmem:s23], [sflag:$0x1] =	stream.indirect.gather [hbm4b:s2+s22], $0x80, s14, s22, $0xb8;
	[tilespmem:$0x19C00] =	vst v63  }
0x6d: {  	_ =	swait.ge [sflag:s0], $0x4000  }
0x6e: {  	[sflag:s0] =	ssyncset.done $0x0  }
0x6f: {  	[sflag:s0] =	ssyncadd.s32 $0xFFFFC000  }
0x70: {  	[hbm4b:s15+s4] =	stream.linear.scatter [tilespmem:s26], [sflag:$0x9], $0x4000, $0x38;
	[tilespmem:$0x19C00] =	vst v63  }
0x71: {  	_ =	swait.ge [sflag:s5], $0x4000  }
0x72: {  	[sflag:s5] =	ssyncset.done $0x0  }
0x73: {  	s14 =	sadd.s32 $0x380, s20;
	[sflag:s5] =	ssyncadd.s32 $0xFFFFC000  }
0x74: {  	[tilespmem:s24], [sflag:$0x2] =	stream.indirect.gather [hbm4b:s2+s22], $0x80, s14, s22, $0xb8;
	[tilespmem:$0x19C00] =	vst v63  }
0x75: {  	_ =	swait.ge [sflag:s7], $0x4000  }
0x76: {  	[sflag:s7] =	ssyncset.done $0x0  }
0x77: {  	[sflag:s7] =	ssyncadd.s32 $0xFFFFC000  }
0x78: {  	[hbm4b:s18+s4] =	stream.linear.scatter [tilespmem:s29], [sflag:$0xA], $0x4000, $0x38;
	[tilespmem:$0x19C00] =	vst v63  }
0x79: {  	_ =	swait.ge [sflag:s8], $0x4000  }
0x7a: {  	[sflag:s8] =	ssyncset.done $0x0  }
0x7b: {  	s14 =	sadd.s32 $0x400, s20;
	[sflag:s8] =	ssyncadd.s32 $0xFFFFC000  }
0x7c: {  	[tilespmem:s26], [sflag:$0x3] =	stream.indirect.gather [hbm4b:s2+s22], $0x80, s14, s22, $0xb8;
	[tilespmem:$0x19C00] =	vst v63  }
0x7d: {  	_ =	swait.ge [sflag:s9], $0x4000  }
0x7e: {  	[sflag:s9] =	ssyncset.done $0x0  }
0x7f: {  	[sflag:s9] =	ssyncadd.s32 $0xFFFFC000  }
0x80: {  	[hbm4b:s17+s4] =	stream.linear.scatter [tilespmem:s31], [sflag:$0xB], $0x4000, $0x38;
	[tilespmem:$0x19C00] =	vst v63  }
0x81: {  	_ =	swait.ge [sflag:s10], $0x4000  }
0x82: {  	[sflag:s10] =	ssyncset.done $0x0  }
0x83: {  	s14 =	sadd.s32 $0x480, s20;
	[sflag:s10] =	ssyncadd.s32 $0xFFFFC000  }
0x84: {  	[tilespmem:s29], [sflag:$0x4] =	stream.indirect.gather [hbm4b:s2+s22], $0x80, s14, s22, $0xb8;
	[tilespmem:$0x19C00] =	vst v63  }
0x85: {  	_ =	swait.ge [sflag:s11], $0x4000  }
0x86: {  	[sflag:s11] =	ssyncset.done $0x0  }
0x87: {  	[sflag:s11] =	ssyncadd.s32 $0xFFFFC000  }
0x88: {  	[hbm4b:s19+s4] =	stream.linear.scatter [tilespmem:s25], [sflag:$0xC], $0x4000, $0x38;
	[tilespmem:$0x19C00] =	vst v63  }
0x89: {  	_ =	swait.ge [sflag:s12], $0x4000  }
0x8a: {  	[sflag:s12] =	ssyncset.done $0x0  }
0x8b: {  	s14 =	sadd.s32 $0x500, s20;
	[sflag:s12] =	ssyncadd.s32 $0xFFFFC000  }
0x8c: {  	[tilespmem:s31], [sflag:$0x5] =	stream.indirect.gather [hbm4b:s2+s22], $0x80, s14, s22, $0xb8;
	[tilespmem:$0x19C00] =	vst v63  }
0x8d: {  	_ =	swait.ge [sflag:s1], $0x4000  }
0x8e: {  	s14 =	sshrl.u32 s21, $0x3;
	s21 =	sadd.s32 $0x300000, s21;
	[sflag:s1] =	ssyncset.done $0x0  }
.Ltmp0:
0x8f: {  	s14 =	sadd.s32 s3, s14;
	[sflag:s1] =	ssyncadd.s32 $0xFFFFC000;
	(pc) =	sbr.rel @p0 .LBB2_2-.Ltmp0, $4  }
0x90: {  	[hbm4b:s14+s4] =	stream.linear.scatter [tilespmem:s23], [sflag:$0x7], $0x4000, $0x38;
	[tilespmem:$0x19C00] =	vst v63  }
0x91: {  	s16 =	sadd.s32 $0x60000, s16;
	s15 =	sadd.s32 $0x60000, s15;
	_ =	swait.ge [sflag:s13], $0x4000  }
0x92: {  	s18 =	sadd.s32 $0x60000, s18;
	s17 =	sadd.s32 $0x60000, s17;
	[sflag:s13] =	ssyncset.done $0x0  }
0x93: {  	s20 =	sadd.s32 $0x580, s20;
	s19 =	sadd.s32 $0x60000, s19;
	[sflag:s13] =	ssyncadd.s32 $0xFFFFC000  }
0x94: {  	[tilespmem:s25], [sflag:$0x6] =	stream.indirect.gather [hbm4b:s2+s22], $0x80, s20, s22, $0xb8;
	[tilespmem:$0x19C00] =	vst v63  }
0x95: {  	_ =	swait.ge [sflag:s28], $0x4000  }
0x96: {  	[sflag:s28] =	ssyncset.done $0x0  }
0x97: {  	s6 =	rddreg [dreg:$0x6];
	[sflag:s28] =	ssyncadd.s32 $0xFFFFC000  }
0x98: {  	[hbm4b:s6+s4] =	stream.linear.scatter [tilespmem:s24], [sflag:$0x8], $0x4000, $0x38;
	[tilespmem:$0x19C00] =	vst v63  }
0x99: {  	_ =	swait.ge [sflag:s30], $0x4000  }
0x9a: {  	[sflag:s30] =	ssyncset.done $0x0  }
0x9b: {  	s21 =	simm.s32 $0x1800;
	[sflag:s30] =	ssyncadd.s32 $0xFFFFC000  }
0x9c: {  	[tilespmem:s23], [sflag:$0x1] =	stream.indirect.gather [hbm4b:s2+s22], $0x80, s21, s22, $0xb8;
	[tilespmem:$0x19C00] =	vst v63  }
0x9d: {  	_ =	swait.ge [sflag:s0], $0x4000  }
0x9e: {  	[sflag:s0] =	ssyncset.done $0x0  }
0x9f: {  	s14 =	rddreg [dreg:$0x7];
	[sflag:s0] =	ssyncadd.s32 $0xFFFFC000  }
0xa0: {  	[hbm4b:s14+s4] =	stream.linear.scatter [tilespmem:s26], [sflag:$0x9], $0x4000, $0x38;
	[tilespmem:$0x19C00] =	vst v63  }
0xa1: {  	_ =	swait.ge [sflag:s5], $0x4000  }
0xa2: {  	[sflag:s5] =	ssyncset.done $0x0  }
0xa3: {  	s15 =	simm.s32 $0x1880;
	[sflag:s5] =	ssyncadd.s32 $0xFFFFC000  }
0xa4: {  	[tilespmem:s24], [sflag:$0x2] =	stream.indirect.gather [hbm4b:s2+s22], $0x80, s15, s22, $0xb8;
	[tilespmem:$0x19C00] =	vst v63  }
0xa5: {  	_ =	swait.ge [sflag:s7], $0x4000  }
0xa6: {  	[sflag:s7] =	ssyncset.done $0x0  }
0xa7: {  	s16 =	rddreg [dreg:$0x8];
	[sflag:s7] =	ssyncadd.s32 $0xFFFFC000  }
0xa8: {  	[hbm4b:s16+s4] =	stream.linear.scatter [tilespmem:s29], [sflag:$0xA], $0x4000, $0x38;
	[tilespmem:$0x19C00] =	vst v63  }
0xa9: {  	_ =	swait.ge [sflag:s9], $0x4000  }
0xaa: {  	[sflag:s9] =	ssyncset.done $0x0  }
0xab: {  	s17 =	rddreg [dreg:$0x9];
	[sflag:s9] =	ssyncadd.s32 $0xFFFFC000  }
0xac: {  	[hbm4b:s17+s4] =	stream.linear.scatter [tilespmem:s31], [sflag:$0xB], $0x4000, $0x38;
	[tilespmem:$0x19C00] =	vst v63  }
0xad: {  	_ =	swait.ge [sflag:s11], $0x4000  }
0xae: {  	[sflag:s11] =	ssyncset.done $0x0  }
0xaf: {  	s18 =	rddreg [dreg:$0xa];
	[sflag:s11] =	ssyncadd.s32 $0xFFFFC000  }
0xb0: {  	[hbm4b:s18+s4] =	stream.linear.scatter [tilespmem:s25], [sflag:$0xC], $0x4000, $0x38;
	[tilespmem:$0x19C00] =	vst v63  }
0xb1: {  	_ =	swait.ge [sflag:s1], $0x4000  }
0xb2: {  	[sflag:s1] =	ssyncset.done $0x0  }
0xb3: {  	s19 =	rddreg [dreg:$0xb];
	[sflag:s1] =	ssyncadd.s32 $0xFFFFC000  }
0xb4: {  	[hbm4b:s19+s4] =	stream.linear.scatter [tilespmem:s23], [sflag:$0x7], $0x4000, $0x38;
	[tilespmem:$0x19C00] =	vst v63  }
0xb5: {  	_ =	swait.ge [sflag:s28], $0x4000  }
0xb6: {  	[sflag:s28] =	ssyncset.done $0x0  }
0xb7: {  	s20 =	rddreg [dreg:$0xc];
	[sflag:s28] =	ssyncadd.s32 $0xFFFFC000  }
0xb8: {  	[hbm4b:s20+s4] =	stream.linear.scatter [tilespmem:s24], [sflag:$0x8], $0x4000, $0x38;
	[tilespmem:$0x19C00] =	vst v63  }
0xb9: {  	_ =	swait.ge [sflag:s8], $0x4000  }
0xba: {  	[sflag:s8] =	ssyncset.done $0x0  }
0xbb: {  	[sflag:s8] =	ssyncadd.s32 $0xFFFFC000  }
0xbc: {  	_ =	swait.ge [sflag:s10], $0x4000  }
0xbd: {  	[sflag:s10] =	ssyncset.done $0x0  }
0xbe: {  	[sflag:s10] =	ssyncadd.s32 $0xFFFFC000  }
0xbf: {  	_ =	swait.ge [sflag:s12], $0x4000  }
0xc0: {  	[sflag:s12] =	ssyncset.done $0x0  }
0xc1: {  	[sflag:s12] =	ssyncadd.s32 $0xFFFFC000  }
0xc2: {  	_ =	swait.ge [sflag:s13], $0x4000  }
0xc3: {  	[sflag:s13] =	ssyncset.done $0x0  }
0xc4: {  	[sflag:s13] =	ssyncadd.s32 $0xFFFFC000  }
0xc5: {  	_ =	swait.ge [sflag:s30], $0x4000  }
0xc6: {  	[sflag:s30] =	ssyncset.done $0x0  }
0xc7: {  	[sflag:s30] =	ssyncadd.s32 $0xFFFFC000  }
0xc8: {  	_ =	swait.ge [sflag:s5], $0x4000  }
0xc9: {  	s14 =	rddreg [dreg:$0x14]  }
0xca: {  	s21 =	rddreg [dreg:$0xd];
	s14 =	sadd.s32 $0x1, s14  }
0xcb: {  	p0 =	sne.s32 s14, s21  }
.Ltmp1:
0xcc: {  	_ = 	snop;
	(pc) =	sbr.rel @p0 .LBB2_1-.Ltmp1, $3  }
0xcd: {  	_ =	sdelay $0x1  }
0xce: {  	[sflag:s5] =	ssyncset.done $0x0  }
0xcf: {  	[sflag:s5] =	ssyncadd.s32 $0xFFFFC000  }
0xd0: {  	_ =	sfence.sel $0x180000  }
0xd1: {  	[bflag:$0x0] =	sbarrier.arrive $0xFFFF  }
0xd2: {  	_ =	strace $0x90000047  }
0xd3: {  	s0 =	stileid.u32;
	[bflag:$0x2] =	sbarrier.arrive $0xFFFF  }
0xd4: {  	p0 =	sne.s32 s0, $0x0;
	s0 =	rddreg [dreg:$0x3]  }
0xd5: {  	s0 =	sadd.s32 @!p0 $0x100000, s0  }
0xd6: {  	[sflag:s0] =	ssyncadd.tile.s32 @!p0 $0x1;
	_ =	shalt  }
.Lfunc_end2:
_tile_overlayer_lowered:
.L_overlay_start_2:
0xd7: {  	(tag) =	ssettag $0x2  }
0xd8: {  	s0 =	rddreg [dreg:$0x0];
	s2 =	stileid.u32  }
0xd9: {  	s1 =	rddreg [dreg:$0x1];
	p0 =	sne.s32 s2, $0x0  }
0xda: {  	s3 =	rddreg [dreg:$0x2];
	[bflag:$0x3] =	sbarrier.arrive $0xFFFF;
	s2 =	simm.s32 @!p0 $0x1C0D  }
0xdb: {  	[timem:s3], [sflag:s2] =	dma.local @!p0 [hbm:s0], s1  }
0xdc: {  	s0 =	simm.s32 @!p0 $0xD  }
0xdd: {  	_ =	swait.ge @!p0 [sflag:s0], s1  }
0xde: {  	s1 =	ssub.s32 @!p0 $0x0, s1;
	[sflag:s0] =	ssyncset.done @!p0 $0x0  }
0xdf: {  	[sflag:s0] =	ssyncadd.s32 @!p0 s1  }
0xe0: {  	[bflag:$0x3] =	sbarrier.arrive $0xFFFF  }
0xe1: {  	_ =	shalt  }

</sc_bundles>
